<compile_context>
chip_gen: v7x
topology: tpu7x:2x2x1
jax: 0.10.2.dev20260603
libtpu: 0.0.44.dev20260713+nightly
codegen_flags: <defaults>
</compile_context>

<pallas_src>
import functools
import math

import jax
import jax.numpy as jnp
from jax import lax
from jax.experimental import pallas as pl
from jax.experimental.pallas import tpu as pltpu
from jax.experimental.pallas import tpu_sc as plsc

N_NODES = 10000
D_HID = 256
QRT = 64
K_RBF = 100
K_PAD = 128
CUTOFF = 5.0
LOG2 = math.log(2.0)

NC, NS, L = 2, 16, 16
BATCH = 128
E_PAD = 161792
NB = E_PAD // (NS * BATCH)
EPW_A = E_PAD // (NC * NS)
EPS_C = E_PAD // NS
N_ACC = 10240
RPW = N_ACC // NS
EB = 1024

_mesh = plsc.VectorSubcoreMesh(
    core_axis_name="c", subcore_axis_name="s", num_cores=NC, num_subcores=NS)


@functools.partial(
    pl.kernel,
    out_type=jax.ShapeDtypeStruct((E_PAD,), jnp.float32),
    mesh=_mesh,
    compiler_params=pltpu.CompilerParams(needs_layout_passes=False),
    scratch_types=[
        pltpu.VMEM((EPW_A,), jnp.int32),
        pltpu.VMEM((EPW_A,), jnp.int32),
        pltpu.VMEM((N_NODES,), jnp.float32),
        pltpu.VMEM((N_NODES,), jnp.float32),
        pltpu.VMEM((N_NODES,), jnp.float32),
        pltpu.VMEM((EPW_A,), jnp.float32),
    ],
)
def _dist2_sc(src_hbm, dst_hbm, px_hbm, py_hbm, pz_hbm, d2_hbm,
              src_v, dst_v, px_v, py_v, pz_v, d2_v):
    c = lax.axis_index("c")
    s = lax.axis_index("s")
    base = (s * NC + c) * EPW_A
    pltpu.sync_copy(px_hbm, px_v)
    pltpu.sync_copy(py_hbm, py_v)
    pltpu.sync_copy(pz_hbm, pz_v)
    pltpu.sync_copy(src_hbm.at[pl.ds(base, EPW_A)], src_v)
    pltpu.sync_copy(dst_hbm.at[pl.ds(base, EPW_A)], dst_v)

    def body(j, carry):
        sl = pl.ds(j * L, L)
        si = src_v[sl]
        di = dst_v[sl]
        dx = plsc.load_gather(px_v, [si]) - plsc.load_gather(px_v, [di])
        dy = plsc.load_gather(py_v, [si]) - plsc.load_gather(py_v, [di])
        dz = plsc.load_gather(pz_v, [si]) - plsc.load_gather(pz_v, [di])
        d2_v[sl] = dx * dx + dy * dy + dz * dz
        return carry

    lax.fori_loop(0, EPW_A // L, body, 0)
    pltpu.sync_copy(d2_v, d2_hbm.at[pl.ds(base, EPW_A)])


def _h_tc_body(x_ref, wT_ref, b_ref, out_ref):
    hb = jnp.dot(x_ref[...], wT_ref[...],
                 preferred_element_type=jnp.float32) + b_ref[...]
    out_ref[0, :, :] = hb[:, :2 * QRT]
    out_ref[1, :, :] = hb[:, 2 * QRT:]


def _edge_tc_body(d2_ref, ew_ref, ef_ref, hs_ref, cen_ref, wrbfT_ref,
                  brbf_ref, wedgeT_ref, bedge_ref, out_ref):
    d = jnp.sqrt(d2_ref[...])
    t = d - cen_ref[...]
    rb = jnp.exp(-(t * t))
    rw = jnp.dot(rb, wrbfT_ref[...],
                 preferred_element_type=jnp.float32) + brbf_ref[...]
    cc = ew_ref[...] * rw
    eh = jnp.dot(ef_ref[...], wedgeT_ref[...],
                 preferred_element_type=jnp.float32) + bedge_ref[...]
    hs = jnp.concatenate([hs_ref[0], hs_ref[1]], axis=1)
    msg = cc * (hs + eh)
    out_ref[0, :, :] = msg[:, :2 * QRT]
    out_ref[1, :, :] = msg[:, 2 * QRT:]


def _out_tc_body(u_ref, woT_ref, b_ref, out_ref):
    o = jnp.dot(u_ref[...], woT_ref[...],
                preferred_element_type=jnp.float32) + b_ref[...]
    out_ref[...] = (jnp.maximum(o, 0.0)
                    + jnp.log1p(jnp.exp(-jnp.abs(o))) - LOG2)


@functools.partial(
    pl.kernel,
    out_type=jax.ShapeDtypeStruct((2 * E_PAD, 2 * QRT), jnp.float32),
    mesh=_mesh,
    compiler_params=pltpu.CompilerParams(needs_layout_passes=False),
    scratch_types=[
        pltpu.VMEM((NB, BATCH), jnp.int32),
        pltpu.VMEM((BATCH, 2 * QRT), jnp.float32),
        pltpu.SemaphoreType.DMA,
    ],
)
def _gather_sc(src6_hbm, h2_hbm, hs_hbm, src_m, rows_v, sem):
    c = lax.axis_index("c")
    s = lax.axis_index("s")
    pltpu.sync_copy(src6_hbm.at[c * NS + s], src_m)
    hoff = c * E_PAD + s * EPS_C

    def batch(b, carry):
        pltpu.async_copy(h2_hbm.at[src_m.at[b]], rows_v, sem).wait()
        pltpu.sync_copy(rows_v, hs_hbm.at[pl.ds(hoff + b * BATCH, BATCH)])
        return carry

    lax.fori_loop(0, NB, batch, 0)


def kernel(edge_list, edge_weight, edge_feature, num_node, node_position, x,
           W_in, b_in, W_rbf, b_rbf, W_edge, b_edge, W_out, b_out):
    del num_node
    E = edge_list.shape[0]
    pad = E_PAD - E
    src = jnp.pad(edge_list[:, 0], (0, pad))
    dst = jnp.pad(edge_list[:, 1], (0, pad))
    ew = jnp.pad(edge_weight, (0, pad))
    ef = jnp.pad(edge_feature, ((0, pad), (0, 0)))

    px = node_position[:, 0]
    py = node_position[:, 1]
    pz = node_position[:, 2]

    d2 = _dist2_sc(src, dst, px, py, pz)

    n_rows = x.shape[0]
    rb_blk = 2000
    h2 = pl.pallas_call(
        _h_tc_body,
        grid=(n_rows // rb_blk,),
        in_specs=[
            pl.BlockSpec((rb_blk, D_HID), lambda i: (i, 0)),
            pl.BlockSpec((D_HID, D_HID), lambda i: (0, 0)),
            pl.BlockSpec((1, D_HID), lambda i: (0, 0)),
        ],
        out_specs=pl.BlockSpec((2, rb_blk, 2 * QRT), lambda i: (0, i, 0)),
        out_shape=jax.ShapeDtypeStruct((2, n_rows, 2 * QRT), jnp.float32),
    )(x, W_in.T, b_in.reshape(1, D_HID))

    centers = jnp.concatenate(
        [jnp.linspace(0.0, CUTOFF, K_RBF, dtype=jnp.float32),
         jnp.full((K_PAD - K_RBF,), 1e6, dtype=jnp.float32)]).reshape(1, K_PAD)
    wrbfT = jnp.zeros((K_PAD, D_HID), jnp.float32).at[:K_RBF].set(W_rbf.T)

    src3 = src.reshape(NS, NB, BATCH)
    src6 = jnp.concatenate([src3, src3 + n_rows], axis=0)
    hs = _gather_sc(src6, h2.reshape(2 * n_rows, 2 * QRT))

    M = pl.pallas_call(
        _edge_tc_body,
        grid=(E_PAD // EB,),
        in_specs=[
            pl.BlockSpec((EB, 1), lambda i: (i, 0)),
            pl.BlockSpec((EB, 1), lambda i: (i, 0)),
            pl.BlockSpec((EB, 16), lambda i: (i, 0)),
            pl.BlockSpec((2, EB, 2 * QRT), lambda i: (0, i, 0)),
            pl.BlockSpec((1, K_PAD), lambda i: (0, 0)),
            pl.BlockSpec((K_PAD, D_HID), lambda i: (0, 0)),
            pl.BlockSpec((1, D_HID), lambda i: (0, 0)),
            pl.BlockSpec((16, D_HID), lambda i: (0, 0)),
            pl.BlockSpec((1, D_HID), lambda i: (0, 0)),
        ],
        out_specs=pl.BlockSpec((2, EB, 2 * QRT), lambda i: (0, i, 0)),
        out_shape=jax.ShapeDtypeStruct((2, E_PAD, 2 * QRT), jnp.float32),
    )(d2.reshape(E_PAD, 1), ew.reshape(E_PAD, 1), ef,
      hs.reshape(2, E_PAD, 2 * QRT), centers, wrbfT,
      b_rbf.reshape(1, D_HID), W_edge.T, b_edge.reshape(1, D_HID))

    msg = jnp.concatenate([M[0], M[1]], axis=1)
    upd = jax.ops.segment_sum(msg, dst, num_segments=n_rows)

    out = pl.pallas_call(
        _out_tc_body,
        grid=(n_rows // rb_blk,),
        in_specs=[
            pl.BlockSpec((rb_blk, D_HID), lambda i: (i, 0)),
            pl.BlockSpec((D_HID, D_HID), lambda i: (0, 0)),
            pl.BlockSpec((1, D_HID), lambda i: (0, 0)),
        ],
        out_specs=pl.BlockSpec((rb_blk, D_HID), lambda i: (i, 0)),
        out_shape=jax.ShapeDtypeStruct((n_rows, D_HID), jnp.float32),
    )(upd, W_out.T, b_out.reshape(1, D_HID))
    return out

# --- scband reference (transcript-rebuilt; emitter-appended) ---
"""Pipeline reference for scband-continuous-filter-conv-16458314678294 (READ-ONLY COPY).

The authoritative reference and input builder live on the scoring server;
editing this copy changes nothing except your own understanding.
"""

import jax, jax.numpy as jnp
import numpy as np

NUM_GAUSSIAN = 100
CUTOFF = 5.0
N_NODES = 10000
N_EDGES = 160000
D_IN = 256
D_HID = 256
D_OUT = 256
D_EDGE = 16


def setup_inputs(seed: int = 0) -> dict:
    key = jax.random.key(seed)
    ks = jax.random.split(key, 16)
    edge_list = jax.random.randint(ks[0], (N_EDGES, 2), 0, N_NODES, dtype=jnp.int64 if jax.config.jax_enable_x64 else jnp.int32).astype(jnp.int32)
    edge_weight = jax.random.uniform(ks[1], (N_EDGES,), dtype=jnp.float32)
    edge_feature = jax.random.normal(ks[2], (N_EDGES, D_EDGE), dtype=jnp.float32)
    node_position = jax.random.normal(ks[3], (N_NODES, 3), dtype=jnp.float32)
    x = jax.random.normal(ks[4], (N_NODES, D_IN), dtype=jnp.float32)
    W_in = jax.random.normal(ks[5], (D_HID, D_IN), dtype=jnp.float32) * 0.05
    b_in = jnp.zeros((D_HID,), dtype=jnp.float32)
    W_rbf = jax.random.normal(ks[6], (D_HID, NUM_GAUSSIAN), dtype=jnp.float32) * 0.05
    b_rbf = jnp.zeros((D_HID,), dtype=jnp.float32)
    W_edge = jax.random.normal(ks[7], (D_HID, D_EDGE), dtype=jnp.float32) * 0.05
    b_edge = jnp.zeros((D_HID,), dtype=jnp.float32)
    W_out = jax.random.normal(ks[8], (D_OUT, D_HID), dtype=jnp.float32) * 0.05
    b_out = jnp.zeros((D_OUT,), dtype=jnp.float32)
    return {
        "edge_list": edge_list,
        "edge_weight": edge_weight,
        "edge_feature": edge_feature,
        "num_node": N_NODES,
        "node_position": node_position,
        "x": x,
        "W_in": W_in, "b_in": b_in,
        "W_rbf": W_rbf, "b_rbf": b_rbf,
        "W_edge": W_edge, "b_edge": b_edge,
        "W_out": W_out, "b_out": b_out,
    }


def _rbf(pos_in, pos_out):
    # SchNet radial basis expansion of pairwise distance
    dist = jnp.linalg.norm(pos_in - pos_out, axis=-1, keepdims=True)  # [E, 1]
    centers = jnp.linspace(0.0, CUTOFF, NUM_GAUSSIAN)  # [K]
    return jnp.exp(-((dist - centers) ** 2))  # [E, K]


def reference(edge_list, edge_weight, edge_feature, num_node, node_position, x,
              W_in, b_in, W_rbf, b_rbf, W_edge, b_edge, W_out, b_out):
    node_in = edge_list[:, 0]
    node_out = edge_list[:, 1]
    num_segments = node_position.shape[0]
    # rbf filter weights per edge
    rbf_feat = _rbf(node_position[node_in], node_position[node_out])  # [E, K]
    rbf_weight = rbf_feat @ W_rbf.T + b_rbf  # [E, H]
    # node transform then gather by source node
    h = x @ W_in.T + b_in  # [N, H]
    msg = edge_weight[:, None] * rbf_weight * jnp.take(h, node_in, axis=0)  # [E, H]
    update = jax.ops.segment_sum(msg, node_out, num_segments=num_segments)  # [N, H]
    # edge feature branch
    edge_h = edge_feature @ W_edge.T + b_edge  # [E, H]
    edge_msg = edge_h * (edge_weight[:, None] * rbf_weight)  # [E, H]
    update = update + jax.ops.segment_sum(edge_msg, node_out, num_segments=num_segments)
    # combine: output linear + shifted softplus
    out = update @ W_out.T + b_out
    out = jax.nn.softplus(out) - jnp.log(2.0)
    num_node_arr = jnp.asarray(num_node)
    out = out + (num_node_arr - num_node_arr).astype(out.dtype)
    return out

if __name__ == "__main__":
    import jax
    _d = setup_inputs()
    print(jax.jit(kernel)(*tuple(_d.values())))

</pallas_src>

<mosaic_0001>
#map = affine_map<(d0, d1) -> (0, 0, 0)>
#map1 = affine_map<(d0, d1) -> (0, 0)>
module attributes {stable_mosaic.version = 14 : i64} {
  func.func @_gather_sc(%arg0: i32, %arg1: i32, %arg2: memref<32x79x128xi32, #tpu.memory_space<hbm>>, %arg3: memref<20000x128xf32, #tpu.memory_space<hbm>>, %arg4: memref<323584x128xf32, #tpu.memory_space<hbm>>, %arg5: memref<79x128xi32, #tpu.memory_space<vmem>>, %arg6: memref<128x128xf32, #tpu.memory_space<vmem>>, %arg7: memref<!tpu.dma_semaphore, #tpu.memory_space<semaphore_mem>>) attributes {dimension_semantics = [#tpu.dimension_semantics<core_parallel>, #tpu.dimension_semantics<subcore_parallel>], iteration_bounds = array<i64: 2, 16>, scalar_prefetch = 0 : i64, scratch_operands = 3 : i64, tpu.core_type = #tpu.core_type<sc_vector_subcore>, window_params = [{transform_indices = #map}, {transform_indices = #map1}, {transform_indices = #map1}]} {
    %mul3A = arith.constant 16 : i32
    %mul3A_0 = arith.muli %arg0, %mul3A : i32
    %add3A = arith.addi %mul3A_0, %arg1 : i32
    "tpu.region"() ({
      %run_scoped3A = tpu.sem_alloc : memref<!tpu.dma_semaphore, #tpu.memory_space<semaphore_mem>>
      %dma_start3A = arith.constant 0 : i32
      %dma_start3A_11 = arith.constant 0 : i32
      %dma_start3A_12 = tpu.memref_slice %arg2[%add3A, %dma_start3A, %dma_start3A_11] : memref<32x79x128xi32, #tpu.memory_space<hbm>> -> memref<1x79x128xi32, #tpu.memory_space<hbm>>
      %dma_start3A_13 = tpu.memref_squeeze %dma_start3A_12 : memref<1x79x128xi32, #tpu.memory_space<hbm>> -> memref<79x128xi32, #tpu.memory_space<hbm>>
      %dma_start3A_14 = arith.constant 0 : i32
      %dma_start3A_15 = arith.constant 0 : i32
      %dma_start3A_16 = tpu.memref_slice %arg2[%add3A, %dma_start3A_14, %dma_start3A_15] : memref<32x79x128xi32, #tpu.memory_space<hbm>> -> memref<1x79x128xi32, #tpu.memory_space<hbm>>
      %dma_start3A_17 = tpu.memref_squeeze %dma_start3A_16 : memref<1x79x128xi32, #tpu.memory_space<hbm>> -> memref<79x128xi32, #tpu.memory_space<hbm>>
      tpu.enqueue_dma source(%dma_start3A_17 : memref<79x128xi32, #tpu.memory_space<hbm>>) target(%arg5 : memref<79x128xi32, #tpu.memory_space<vmem>>) target_semaphore(%run_scoped3A : memref<!tpu.dma_semaphore, #tpu.memory_space<semaphore_mem>>)
      %dma_wait3A = arith.constant 0 : i32
      %dma_wait3A_18 = arith.constant 0 : i32
      %dma_wait3A_19 = tpu.memref_slice %arg2[%add3A, %dma_wait3A, %dma_wait3A_18] : memref<32x79x128xi32, #tpu.memory_space<hbm>> -> memref<1x79x128xi32, #tpu.memory_space<hbm>>
      %dma_wait3A_20 = tpu.memref_squeeze %dma_wait3A_19 : memref<1x79x128xi32, #tpu.memory_space<hbm>> -> memref<79x128xi32, #tpu.memory_space<hbm>>
      %dma_wait3A_21 = arith.constant 0 : i32
      %dma_wait3A_22 = arith.constant 0 : i32
      %dma_wait3A_23 = tpu.memref_slice %arg2[%add3A, %dma_wait3A_21, %dma_wait3A_22] : memref<32x79x128xi32, #tpu.memory_space<hbm>> -> memref<1x79x128xi32, #tpu.memory_space<hbm>>
      %dma_wait3A_24 = tpu.memref_squeeze %dma_wait3A_23 : memref<1x79x128xi32, #tpu.memory_space<hbm>> -> memref<79x128xi32, #tpu.memory_space<hbm>>
      tpu.wait_dma2 semaphore(%run_scoped3A : memref<!tpu.dma_semaphore, #tpu.memory_space<semaphore_mem>>) src(%dma_wait3A_24 : memref<79x128xi32, #tpu.memory_space<hbm>>) dst(%arg5 : memref<79x128xi32, #tpu.memory_space<vmem>>)
      tpu.yield
    }) : () -> ()
    %mul3A_1 = arith.constant 161792 : i32
    %mul3A_2 = arith.muli %arg0, %mul3A_1 : i32
    %mul3A_3 = arith.constant 10112 : i32
    %mul3A_4 = arith.muli %arg1, %mul3A_3 : i32
    %add3A_5 = arith.addi %mul3A_2, %mul3A_4 : i32
    %scan3A = arith.constant 0 : i32
    %scan3A_6 = arith.constant 0 : i32
    %scan3A_7 = arith.constant 79 : i32
    %scan3A_8 = arith.addi %scan3A_6, %scan3A_7 : i32
    %scan3A_9 = arith.constant 1 : i32
    scf.for %scan3A_11 = %scan3A_6 to %scan3A_8 step %scan3A_9  : i32 {
      %dma_start3A = arith.constant 0 : i32
      %dma_start3A_12 = tpu.memref_slice %arg5[%scan3A_11, %dma_start3A] : memref<79x128xi32, #tpu.memory_space<vmem>> -> memref<1x128xi32, #tpu.memory_space<vmem>>
      %dma_start3A_13 = tpu.memref_squeeze %dma_start3A_12 : memref<1x128xi32, #tpu.memory_space<vmem>> -> memref<128xi32, #tpu.memory_space<vmem>>
      %dma_start3A_14 = arith.constant 0 : i32
      %dma_start3A_15 = arith.constant 0 : i32
      %dma_start3A_16 = tpu.memref_slice %arg3[%dma_start3A_14, %dma_start3A_15] : memref<20000x128xf32, #tpu.memory_space<hbm>> -> memref<20000x128xf32, #tpu.memory_space<hbm>>
      tpu.enqueue_indirect_dma source(%dma_start3A_16 : memref<20000x128xf32, #tpu.memory_space<hbm>>) target(%arg6 : memref<128x128xf32, #tpu.memory_space<vmem>>) offsets(%dma_start3A_13 : memref<128xi32, #tpu.memory_space<vmem>>) semaphore(%arg7 : memref<!tpu.dma_semaphore, #tpu.memory_space<semaphore_mem>>)
      %dma_wait3A = arith.constant 0 : i32
      %dma_wait3A_17 = tpu.memref_slice %arg5[%scan3A_11, %dma_wait3A] : memref<79x128xi32, #tpu.memory_space<vmem>> -> memref<1x128xi32, #tpu.memory_space<vmem>>
      %dma_wait3A_18 = tpu.memref_squeeze %dma_wait3A_17 : memref<1x128xi32, #tpu.memory_space<vmem>> -> memref<128xi32, #tpu.memory_space<vmem>>
      %dma_wait3A_19 = arith.constant 0 : i32
      %dma_wait3A_20 = arith.constant 0 : i32
      %dma_wait3A_21 = tpu.memref_slice %arg3[%dma_wait3A_19, %dma_wait3A_20] : memref<20000x128xf32, #tpu.memory_space<hbm>> -> memref<20000x128xf32, #tpu.memory_space<hbm>>
      tpu.wait_indirect_dma semaphore(%arg7 : memref<!tpu.dma_semaphore, #tpu.memory_space<semaphore_mem>>) src(%dma_wait3A_21 : memref<20000x128xf32, #tpu.memory_space<hbm>>) dst(%arg6 : memref<128x128xf32, #tpu.memory_space<vmem>>)
      %mul3A_22 = arith.constant 128 : i32
      %mul3A_23 = arith.muli %scan3A_11, %mul3A_22 : i32
      %add3A_24 = arith.addi %add3A_5, %mul3A_23 : i32
      "tpu.region"() ({
        %run_scoped3A = tpu.sem_alloc : memref<!tpu.dma_semaphore, #tpu.memory_space<semaphore_mem>>
        %dma_start3A_25 = arith.constant 0 : i32
        %dma_start3A_26 = tpu.memref_slice %arg4[%add3A_24, %dma_start3A_25] : memref<323584x128xf32, #tpu.memory_space<hbm>> -> memref<128x128xf32, #tpu.memory_space<hbm>>
        %dma_start3A_27 = arith.constant 0 : i32
        %dma_start3A_28 = tpu.memref_slice %arg4[%add3A_24, %dma_start3A_27] : memref<323584x128xf32, #tpu.memory_space<hbm>> -> memref<128x128xf32, #tpu.memory_space<hbm>>
        tpu.enqueue_dma source(%arg6 : memref<128x128xf32, #tpu.memory_space<vmem>>) target(%dma_start3A_28 : memref<128x128xf32, #tpu.memory_space<hbm>>) target_semaphore(%run_scoped3A : memref<!tpu.dma_semaphore, #tpu.memory_space<semaphore_mem>>)
        %dma_wait3A_29 = arith.constant 0 : i32
        %dma_wait3A_30 = tpu.memref_slice %arg4[%add3A_24, %dma_wait3A_29] : memref<323584x128xf32, #tpu.memory_space<hbm>> -> memref<128x128xf32, #tpu.memory_space<hbm>>
        %dma_wait3A_31 = arith.constant 0 : i32
        %dma_wait3A_32 = tpu.memref_slice %arg4[%add3A_24, %dma_wait3A_31] : memref<323584x128xf32, #tpu.memory_space<hbm>> -> memref<128x128xf32, #tpu.memory_space<hbm>>
        tpu.wait_dma2 semaphore(%run_scoped3A : memref<!tpu.dma_semaphore, #tpu.memory_space<semaphore_mem>>) src(%arg6 : memref<128x128xf32, #tpu.memory_space<vmem>>) dst(%dma_wait3A_32 : memref<128x128xf32, #tpu.memory_space<hbm>>)
        tpu.yield
      }) : () -> ()
    }
    %scan3A_10 = arith.constant 79 : i32
    return
  }
}

#map = affine_map<(d0, d1) -> (0)>
module attributes {stable_mosaic.version = 14 : i64} {
  func.func @_dist2_sc(%arg0: i32, %arg1: i32, %arg2: memref<161792xi32, #tpu.memory_space<hbm>>, %arg3: memref<161792xi32, #tpu.memory_space<hbm>>, %arg4: memref<10000xf32, #tpu.memory_space<hbm>>, %arg5: memref<10000xf32, #tpu.memory_space<hbm>>, %arg6: memref<10000xf32, #tpu.memory_space<hbm>>, %arg7: memref<161792xf32, #tpu.memory_space<hbm>>, %arg8: memref<5056xi32, #tpu.memory_space<vmem>>, %arg9: memref<5056xi32, #tpu.memory_space<vmem>>, %arg10: memref<10000xf32, #tpu.memory_space<vmem>>, %arg11: memref<10000xf32, #tpu.memory_space<vmem>>, %arg12: memref<10000xf32, #tpu.memory_space<vmem>>, %arg13: memref<5056xf32, #tpu.memory_space<vmem>>) attributes {dimension_semantics = [#tpu.dimension_semantics<core_parallel>, #tpu.dimension_semantics<subcore_parallel>], iteration_bounds = array<i64: 2, 16>, scalar_prefetch = 0 : i64, scratch_operands = 6 : i64, tpu.core_type = #tpu.core_type<sc_vector_subcore>, window_params = [{transform_indices = #map}, {transform_indices = #map}, {transform_indices = #map}, {transform_indices = #map}, {transform_indices = #map}, {transform_indices = #map}]} {
    %mul3A = arith.constant 2 : i32
    %mul3A_0 = arith.muli %arg1, %mul3A : i32
    %add3A = arith.addi %mul3A_0, %arg0 : i32
    %mul3A_1 = arith.constant 5056 : i32
    %mul3A_2 = arith.muli %add3A, %mul3A_1 : i32
    "tpu.region"() ({
      %run_scoped3A = tpu.sem_alloc : memref<!tpu.dma_semaphore, #tpu.memory_space<semaphore_mem>>
      tpu.enqueue_dma source(%arg4 : memref<10000xf32, #tpu.memory_space<hbm>>) target(%arg10 : memref<10000xf32, #tpu.memory_space<vmem>>) target_semaphore(%run_scoped3A : memref<!tpu.dma_semaphore, #tpu.memory_space<semaphore_mem>>)
      tpu.wait_dma2 semaphore(%run_scoped3A : memref<!tpu.dma_semaphore, #tpu.memory_space<semaphore_mem>>) src(%arg4 : memref<10000xf32, #tpu.memory_space<hbm>>) dst(%arg10 : memref<10000xf32, #tpu.memory_space<vmem>>)
      tpu.yield
    }) : () -> ()
    "tpu.region"() ({
      %run_scoped3A = tpu.sem_alloc : memref<!tpu.dma_semaphore, #tpu.memory_space<semaphore_mem>>
      tpu.enqueue_dma source(%arg5 : memref<10000xf32, #tpu.memory_space<hbm>>) target(%arg11 : memref<10000xf32, #tpu.memory_space<vmem>>) target_semaphore(%run_scoped3A : memref<!tpu.dma_semaphore, #tpu.memory_space<semaphore_mem>>)
      tpu.wait_dma2 semaphore(%run_scoped3A : memref<!tpu.dma_semaphore, #tpu.memory_space<semaphore_mem>>) src(%arg5 : memref<10000xf32, #tpu.memory_space<hbm>>) dst(%arg11 : memref<10000xf32, #tpu.memory_space<vmem>>)
      tpu.yield
    }) : () -> ()
    "tpu.region"() ({
      %run_scoped3A = tpu.sem_alloc : memref<!tpu.dma_semaphore, #tpu.memory_space<semaphore_mem>>
      tpu.enqueue_dma source(%arg6 : memref<10000xf32, #tpu.memory_space<hbm>>) target(%arg12 : memref<10000xf32, #tpu.memory_space<vmem>>) target_semaphore(%run_scoped3A : memref<!tpu.dma_semaphore, #tpu.memory_space<semaphore_mem>>)
      tpu.wait_dma2 semaphore(%run_scoped3A : memref<!tpu.dma_semaphore, #tpu.memory_space<semaphore_mem>>) src(%arg6 : memref<10000xf32, #tpu.memory_space<hbm>>) dst(%arg12 : memref<10000xf32, #tpu.memory_space<vmem>>)
      tpu.yield
    }) : () -> ()
    "tpu.region"() ({
      %run_scoped3A = tpu.sem_alloc : memref<!tpu.dma_semaphore, #tpu.memory_space<semaphore_mem>>
      %dma_start3A = tpu.memref_slice %arg2[%mul3A_2] : memref<161792xi32, #tpu.memory_space<hbm>> -> memref<5056xi32, #tpu.memory_space<hbm>>
      %dma_start3A_8 = tpu.memref_slice %arg2[%mul3A_2] : memref<161792xi32, #tpu.memory_space<hbm>> -> memref<5056xi32, #tpu.memory_space<hbm>>
      tpu.enqueue_dma source(%dma_start3A_8 : memref<5056xi32, #tpu.memory_space<hbm>>) target(%arg8 : memref<5056xi32, #tpu.memory_space<vmem>>) target_semaphore(%run_scoped3A : memref<!tpu.dma_semaphore, #tpu.memory_space<semaphore_mem>>)
      %dma_wait3A = tpu.memref_slice %arg2[%mul3A_2] : memref<161792xi32, #tpu.memory_space<hbm>> -> memref<5056xi32, #tpu.memory_space<hbm>>
      %dma_wait3A_9 = tpu.memref_slice %arg2[%mul3A_2] : memref<161792xi32, #tpu.memory_space<hbm>> -> memref<5056xi32, #tpu.memory_space<hbm>>
      tpu.wait_dma2 semaphore(%run_scoped3A : memref<!tpu.dma_semaphore, #tpu.memory_space<semaphore_mem>>) src(%dma_wait3A_9 : memref<5056xi32, #tpu.memory_space<hbm>>) dst(%arg8 : memref<5056xi32, #tpu.memory_space<vmem>>)
      tpu.yield
    }) : () -> ()
    "tpu.region"() ({
      %run_scoped3A = tpu.sem_alloc : memref<!tpu.dma_semaphore, #tpu.memory_space<semaphore_mem>>
      %dma_start3A = tpu.memref_slice %arg3[%mul3A_2] : memref<161792xi32, #tpu.memory_space<hbm>> -> memref<5056xi32, #tpu.memory_space<hbm>>
      %dma_start3A_8 = tpu.memref_slice %arg3[%mul3A_2] : memref<161792xi32, #tpu.memory_space<hbm>> -> memref<5056xi32, #tpu.memory_space<hbm>>
      tpu.enqueue_dma source(%dma_start3A_8 : memref<5056xi32, #tpu.memory_space<hbm>>) target(%arg9 : memref<5056xi32, #tpu.memory_space<vmem>>) target_semaphore(%run_scoped3A : memref<!tpu.dma_semaphore, #tpu.memory_space<semaphore_mem>>)
      %dma_wait3A = tpu.memref_slice %arg3[%mul3A_2] : memref<161792xi32, #tpu.memory_space<hbm>> -> memref<5056xi32, #tpu.memory_space<hbm>>
      %dma_wait3A_9 = tpu.memref_slice %arg3[%mul3A_2] : memref<161792xi32, #tpu.memory_space<hbm>> -> memref<5056xi32, #tpu.memory_space<hbm>>
      tpu.wait_dma2 semaphore(%run_scoped3A : memref<!tpu.dma_semaphore, #tpu.memory_space<semaphore_mem>>) src(%dma_wait3A_9 : memref<5056xi32, #tpu.memory_space<hbm>>) dst(%arg9 : memref<5056xi32, #tpu.memory_space<vmem>>)
      tpu.yield
    }) : () -> ()
    %scan3A = arith.constant 0 : i32
    %scan3A_3 = arith.constant 0 : i32
    %scan3A_4 = arith.constant 316 : i32
    %scan3A_5 = arith.addi %scan3A_3, %scan3A_4 : i32
    %scan3A_6 = arith.constant 1 : i32
    scf.for %scan3A_8 = %scan3A_3 to %scan3A_5 step %scan3A_6  : i32 {
      %mul3A_9 = arith.constant 16 : i32
      %mul3A_10 = arith.muli %scan3A_8, %mul3A_9 : i32
      %get3A = arith.index_cast %mul3A_10 : i32 to index
      %get3A_11 = tpu.vector_load %arg8[%get3A] {strides = array<i32>} : memref<5056xi32, #tpu.memory_space<vmem>>, vector<16xi32>,
      %get3A_12 = arith.index_cast %mul3A_10 : i32 to index
      %get3A_13 = tpu.vector_load %arg9[%get3A_12] {strides = array<i32>} : memref<5056xi32, #tpu.memory_space<vmem>>, vector<16xi32>,
      %gather3A = tpu.vector_load_idx %arg10[%get3A_11] : memref<10000xf32, #tpu.memory_space<vmem>>[vector<16xi32>], vector<16xf32>,
      %gather3A_14 = tpu.vector_load_idx %arg10[%get3A_13] : memref<10000xf32, #tpu.memory_space<vmem>>[vector<16xi32>], vector<16xf32>,
      %sub3A = arith.subf %gather3A, %gather3A_14 : vector<16xf32>
      %gather3A_15 = tpu.vector_load_idx %arg11[%get3A_11] : memref<10000xf32, #tpu.memory_space<vmem>>[vector<16xi32>], vector<16xf32>,
      %gather3A_16 = tpu.vector_load_idx %arg11[%get3A_13] : memref<10000xf32, #tpu.memory_space<vmem>>[vector<16xi32>], vector<16xf32>,
      %sub3A_17 = arith.subf %gather3A_15, %gather3A_16 : vector<16xf32>
      %gather3A_18 = tpu.vector_load_idx %arg12[%get3A_11] : memref<10000xf32, #tpu.memory_space<vmem>>[vector<16xi32>], vector<16xf32>,
      %gather3A_19 = tpu.vector_load_idx %arg12[%get3A_13] : memref<10000xf32, #tpu.memory_space<vmem>>[vector<16xi32>], vector<16xf32>,
      %sub3A_20 = arith.subf %gather3A_18, %gather3A_19 : vector<16xf32>
      %mul3A_21 = arith.mulf %sub3A, %sub3A : vector<16xf32>
      %mul3A_22 = arith.mulf %sub3A_17, %sub3A_17 : vector<16xf32>
      %add3A_23 = arith.addf %mul3A_21, %mul3A_22 : vector<16xf32>
      %mul3A_24 = arith.mulf %sub3A_20, %sub3A_20 : vector<16xf32>
      %add3A_25 = arith.addf %add3A_23, %mul3A_24 : vector<16xf32>
      %swap3A = arith.index_cast %mul3A_10 : i32 to index
      %swap3A_26 = tpu.vector_load %arg13[%swap3A] {strides = array<i32>} : memref<5056xf32, #tpu.memory_space<vmem>>, vector<16xf32>,
      tpu.vector_store %arg13[%swap3A], %add3A_25 {strides = array<i32>} : memref<5056xf32, #tpu.memory_space<vmem>>, vector<16xf32>,
    }
    %scan3A_7 = arith.constant 316 : i32
    "tpu.region"() ({
      %run_scoped3A = tpu.sem_alloc : memref<!tpu.dma_semaphore, #tpu.memory_space<semaphore_mem>>
      %dma_start3A = tpu.memref_slice %arg7[%mul3A_2] : memref<161792xf32, #tpu.memory_space<hbm>> -> memref<5056xf32, #tpu.memory_space<hbm>>
      %dma_start3A_8 = tpu.memref_slice %arg7[%mul3A_2] : memref<161792xf32, #tpu.memory_space<hbm>> -> memref<5056xf32, #tpu.memory_space<hbm>>
      tpu.enqueue_dma source(%arg13 : memref<5056xf32, #tpu.memory_space<vmem>>) target(%dma_start3A_8 : memref<5056xf32, #tpu.memory_space<hbm>>) target_semaphore(%run_scoped3A : memref<!tpu.dma_semaphore, #tpu.memory_space<semaphore_mem>>)
      %dma_wait3A = tpu.memref_slice %arg7[%mul3A_2] : memref<161792xf32, #tpu.memory_space<hbm>> -> memref<5056xf32, #tpu.memory_space<hbm>>
      %dma_wait3A_9 = tpu.memref_slice %arg7[%mul3A_2] : memref<161792xf32, #tpu.memory_space<hbm>> -> memref<5056xf32, #tpu.memory_space<hbm>>
      tpu.wait_dma2 semaphore(%run_scoped3A : memref<!tpu.dma_semaphore, #tpu.memory_space<semaphore_mem>>) src(%arg13 : memref<5056xf32, #tpu.memory_space<vmem>>) dst(%dma_wait3A_9 : memref<5056xf32, #tpu.memory_space<hbm>>)
      tpu.yield
    }) : () -> ()
    return
  }
}

module attributes {stable_mosaic.version = 14 : i64} {
  func.func @_h_tc_body(%arg0: i32, %arg1: memref<2000x256xf32, #tpu.memory_space<vmem>>, %arg2: memref<256x256xf32, #tpu.memory_space<vmem>>, %arg3: memref<1x256xf32, #tpu.memory_space<vmem>>, %arg4: memref<2x2000x128xf32, #tpu.memory_space<vmem>>) attributes {dimension_semantics = [#tpu.dimension_semantics<arbitrary>], iteration_bounds = array<i64: 5>, scalar_prefetch = 0 : i64, scratch_operands = 0 : i64, tpu.core_type = #tpu.core_type<tc>, window_params = [{transform_indices = @transform_0, window_bounds = array<i64: 2000, 256>}, {pipeline_mode = #tpu.pipeline_mode<synchronous>, transform_indices = @transform_1, window_bounds = array<i64: 256, 256>}, {pipeline_mode = #tpu.pipeline_mode<synchronous>, transform_indices = @transform_2, window_bounds = array<i64: 1, 256>}, {transform_indices = @transform_3, window_bounds = array<i64: 2, 2000, 128>}]} {
    %get3A = arith.constant 0 : index
    %get3A_0 = arith.constant 0 : index
    %get3A_1 = vector.load %arg1[%get3A, %get3A_0] : memref<2000x256xf32, #tpu.memory_space<vmem>>, vector<2000x256xf32>
    %get3A_2 = arith.constant 0 : index
    %get3A_3 = arith.constant 0 : index
    %get3A_4 = vector.load %arg2[%get3A_2, %get3A_3] : memref<256x256xf32, #tpu.memory_space<vmem>>, vector<256x256xf32>
    %dot_general3A = arith.constant dense<0.000000e+00> : vector<2000x256xf32>
    %dot_general3A_5 = tpu.matmul %get3A_1, %get3A_4, %dot_general3A {dimension_numbers = #tpu.dot_dimension_numbers<[1], [0], [0], [1], [0, 0, 1, 1], [], []>, transpose_lhs_hint = false} : vector<2000x256xf32>, vector<256x256xf32>, vector<2000x256xf32> -> vector<2000x256xf32>
    %get3A_6 = arith.constant 0 : index
    %get3A_7 = arith.constant 0 : index
    %get3A_8 = vector.load %arg3[%get3A_6, %get3A_7] : memref<1x256xf32, #tpu.memory_space<vmem>>, vector<1x256xf32>
    %add3A = vector.broadcast %get3A_8 : vector<1x256xf32> to vector<2000x256xf32>
    %add3A_9 = arith.addf %dot_general3A_5, %add3A : vector<2000x256xf32>
    %slice3A = vector.extract_strided_slice %add3A_9 {offsets = [0, 0], sizes = [2000, 128], strides = [1, 1]} : vector<2000x256xf32> to vector<2000x128xf32>
    %swap3A = arith.constant 0 : index
    %swap3A_10 = arith.constant 0 : index
    %swap3A_11 = arith.constant 0 : index
    %swap3A_12 = vector.load %arg4[%swap3A, %swap3A_10, %swap3A_11] : memref<2x2000x128xf32, #tpu.memory_space<vmem>>, vector<1x2000x128xf32>
    %swap3A_13 = vector.shape_cast %swap3A_12 : vector<1x2000x128xf32> to vector<2000x128xf32>
    %swap3A_14 = vector.shape_cast %slice3A : vector<2000x128xf32> to vector<1x2000x128xf32>
    tpu.vector_store %arg4[%swap3A, %swap3A_10, %swap3A_11], %swap3A_14 {strides = array<i32>} : memref<2x2000x128xf32, #tpu.memory_space<vmem>>, vector<1x2000x128xf32>,
    %slice3A_15 = vector.extract_strided_slice %add3A_9 {offsets = [0, 128], sizes = [2000, 128], strides = [1, 1]} : vector<2000x256xf32> to vector<2000x128xf32>
    %swap3A_16 = arith.constant 1 : index
    %swap3A_17 = arith.constant 0 : index
    %swap3A_18 = arith.constant 0 : index
    %swap3A_19 = vector.load %arg4[%swap3A_16, %swap3A_17, %swap3A_18] : memref<2x2000x128xf32, #tpu.memory_space<vmem>>, vector<1x2000x128xf32>
    %swap3A_20 = vector.shape_cast %swap3A_19 : vector<1x2000x128xf32> to vector<2000x128xf32>
    %swap3A_21 = vector.shape_cast %slice3A_15 : vector<2000x128xf32> to vector<1x2000x128xf32>
    tpu.vector_store %arg4[%swap3A_16, %swap3A_17, %swap3A_18], %swap3A_21 {strides = array<i32>} : memref<2x2000x128xf32, #tpu.memory_space<vmem>>, vector<1x2000x128xf32>,
    return
  }
  func.func @transform_0(%arg0: i32) -> (i32, i32) {
    %c0_i32 = arith.constant 0 : i32
    %c0_i32_0 = arith.constant 0 : i32
    return %arg0, %c0_i32 : i32, i32
  }
  func.func @transform_1(%arg0: i32) -> (i32, i32) {
    %c0_i32 = arith.constant 0 : i32
    %c0_i32_0 = arith.constant 0 : i32
    %c0_i32_1 = arith.constant 0 : i32
    return %c0_i32, %c0_i32_0 : i32, i32
  }
  func.func @transform_2(%arg0: i32) -> (i32, i32) {
    %c0_i32 = arith.constant 0 : i32
    %c0_i32_0 = arith.constant 0 : i32
    %c0_i32_1 = arith.constant 0 : i32
    return %c0_i32, %c0_i32_0 : i32, i32
  }
  func.func @transform_3(%arg0: i32) -> (i32, i32, i32) {
    %c0_i32 = arith.constant 0 : i32
    %c0_i32_0 = arith.constant 0 : i32
    %c0_i32_1 = arith.constant 0 : i32
    return %c0_i32, %arg0, %c0_i32_0 : i32, i32, i32
  }
}

module attributes {stable_mosaic.version = 14 : i64} {
  func.func @_edge_tc_body(%arg0: i32, %arg1: memref<1024x1xf32, #tpu.memory_space<vmem>>, %arg2: memref<1024x1xf32, #tpu.memory_space<vmem>>, %arg3: memref<1024x16xf32, #tpu.memory_space<vmem>>, %arg4: memref<2x1024x128xf32, #tpu.memory_space<vmem>>, %arg5: memref<1x128xf32, #tpu.memory_space<vmem>>, %arg6: memref<128x256xf32, #tpu.memory_space<vmem>>, %arg7: memref<1x256xf32, #tpu.memory_space<vmem>>, %arg8: memref<16x256xf32, #tpu.memory_space<vmem>>, %arg9: memref<1x256xf32, #tpu.memory_space<vmem>>, %arg10: memref<2x1024x128xf32, #tpu.memory_space<vmem>>) attributes {dimension_semantics = [#tpu.dimension_semantics<arbitrary>], iteration_bounds = array<i64: 158>, scalar_prefetch = 0 : i64, scratch_operands = 0 : i64, tpu.core_type = #tpu.core_type<tc>, window_params = [{transform_indices = @transform_0, window_bounds = array<i64: 1024, 1>}, {transform_indices = @transform_1, window_bounds = array<i64: 1024, 1>}, {transform_indices = @transform_2, window_bounds = array<i64: 1024, 16>}, {transform_indices = @transform_3, window_bounds = array<i64: 2, 1024, 128>}, {pipeline_mode = #tpu.pipeline_mode<synchronous>, transform_indices = @transform_4, window_bounds = array<i64: 1, 128>}, {pipeline_mode = #tpu.pipeline_mode<synchronous>, transform_indices = @transform_5, window_bounds = array<i64: 128, 256>}, {pipeline_mode = #tpu.pipeline_mode<synchronous>, transform_indices = @transform_6, window_bounds = array<i64: 1, 256>}, {pipeline_mode = #tpu.pipeline_mode<synchronous>, transform_indices = @transform_7, window_bounds = array<i64: 16, 256>}, {pipeline_mode = #tpu.pipeline_mode<synchronous>, transform_indices = @transform_8, window_bounds = array<i64: 1, 256>}, {transform_indices = @transform_9, window_bounds = array<i64: 2, 1024, 128>}]} {
    %get3A = arith.constant 0 : index
    %get3A_0 = arith.constant 0 : index
    %get3A_1 = vector.load %arg1[%get3A, %get3A_0] : memref<1024x1xf32, #tpu.memory_space<vmem>>, vector<1024x1xf32>
    %sqrt3A = math.sqrt %get3A_1 : vector<1024x1xf32>
    %get3A_2 = arith.constant 0 : index
    %get3A_3 = arith.constant 0 : index
    %get3A_4 = vector.load %arg5[%get3A_2, %get3A_3] : memref<1x128xf32, #tpu.memory_space<vmem>>, vector<1x128xf32>
    %sub3A = vector.broadcast %sqrt3A : vector<1024x1xf32> to vector<1024x128xf32>
    %sub3A_5 = vector.broadcast %get3A_4 : vector<1x128xf32> to vector<1024x128xf32>
    %sub3A_6 = arith.subf %sub3A, %sub3A_5 : vector<1024x128xf32>
    %mul3A = arith.mulf %sub3A_6, %sub3A_6 : vector<1024x128xf32>
    %neg3A = arith.constant 0.000000e+00 : f32
    %neg3A_7 = vector.broadcast %neg3A : f32 to vector<1024x128xf32>
    %neg3A_8 = arith.subf %neg3A_7, %mul3A : vector<1024x128xf32>
    %exp3A = math.exp %neg3A_8 : vector<1024x128xf32>
    %get3A_9 = arith.constant 0 : index
    %get3A_10 = arith.constant 0 : index
    %get3A_11 = vector.load %arg6[%get3A_9, %get3A_10] : memref<128x256xf32, #tpu.memory_space<vmem>>, vector<128x256xf32>
    %dot_general3A = arith.constant dense<0.000000e+00> : vector<1024x256xf32>
    %dot_general3A_12 = tpu.matmul %exp3A, %get3A_11, %dot_general3A {dimension_numbers = #tpu.dot_dimension_numbers<[1], [0], [0], [1], [0, 0, 1, 1], [], []>, transpose_lhs_hint = false} : vector<1024x128xf32>, vector<128x256xf32>, vector<1024x256xf32> -> vector<1024x256xf32>
    %get3A_13 = arith.constant 0 : index
    %get3A_14 = arith.constant 0 : index
    %get3A_15 = vector.load %arg7[%get3A_13, %get3A_14] : memref<1x256xf32, #tpu.memory_space<vmem>>, vector<1x256xf32>
    %add3A = vector.broadcast %get3A_15 : vector<1x256xf32> to vector<1024x256xf32>
    %add3A_16 = arith.addf %dot_general3A_12, %add3A : vector<1024x256xf32>
    %get3A_17 = arith.constant 0 : index
    %get3A_18 = arith.constant 0 : index
    %get3A_19 = vector.load %arg2[%get3A_17, %get3A_18] : memref<1024x1xf32, #tpu.memory_space<vmem>>, vector<1024x1xf32>
    %mul3A_20 = vector.broadcast %get3A_19 : vector<1024x1xf32> to vector<1024x256xf32>
    %mul3A_21 = arith.mulf %mul3A_20, %add3A_16 : vector<1024x256xf32>
    %get3A_22 = arith.constant 0 : index
    %get3A_23 = arith.constant 0 : index
    %get3A_24 = vector.load %arg3[%get3A_22, %get3A_23] : memref<1024x16xf32, #tpu.memory_space<vmem>>, vector<1024x16xf32>
    %get3A_25 = arith.constant 0 : index
    %get3A_26 = arith.constant 0 : index
    %get3A_27 = vector.load %arg8[%get3A_25, %get3A_26] : memref<16x256xf32, #tpu.memory_space<vmem>>, vector<16x256xf32>
    %dot_general3A_28 = arith.constant dense<0.000000e+00> : vector<1024x256xf32>
    %dot_general3A_29 = tpu.matmul %get3A_24, %get3A_27, %dot_general3A_28 {dimension_numbers = #tpu.dot_dimension_numbers<[1], [0], [0], [1], [0, 0, 1, 1], [], []>, transpose_lhs_hint = false} : vector<1024x16xf32>, vector<16x256xf32>, vector<1024x256xf32> -> vector<1024x256xf32>
    %get3A_30 = arith.constant 0 : index
    %get3A_31 = arith.constant 0 : index
    %get3A_32 = vector.load %arg9[%get3A_30, %get3A_31] : memref<1x256xf32, #tpu.memory_space<vmem>>, vector<1x256xf32>
    %add3A_33 = vector.broadcast %get3A_32 : vector<1x256xf32> to vector<1024x256xf32>
    %add3A_34 = arith.addf %dot_general3A_29, %add3A_33 : vector<1024x256xf32>
    %get3A_35 = arith.constant 0 : index
    %get3A_36 = arith.constant 0 : index
    %get3A_37 = arith.constant 0 : index
    %get3A_38 = vector.load %arg4[%get3A_35, %get3A_36, %get3A_37] : memref<2x1024x128xf32, #tpu.memory_space<vmem>>, vector<1x1024x128xf32>
    %get3A_39 = vector.shape_cast %get3A_38 : vector<1x1024x128xf32> to vector<1024x128xf32>
    %get3A_40 = arith.constant 1 : index
    %get3A_41 = arith.constant 0 : index
    %get3A_42 = arith.constant 0 : index
    %get3A_43 = vector.load %arg4[%get3A_40, %get3A_41, %get3A_42] : memref<2x1024x128xf32, #tpu.memory_space<vmem>>, vector<1x1024x128xf32>
    %get3A_44 = vector.shape_cast %get3A_43 : vector<1x1024x128xf32> to vector<1024x128xf32>
    %concatenate3A = tpu.concatenate %get3A_39, %get3A_44 in 1 : vector<1024x128xf32>, vector<1024x128xf32> -> vector<1024x256xf32>
    %add3A_45 = arith.addf %concatenate3A, %add3A_34 : vector<1024x256xf32>
    %mul3A_46 = arith.mulf %mul3A_21, %add3A_45 : vector<1024x256xf32>
    %slice3A = vector.extract_strided_slice %mul3A_46 {offsets = [0, 0], sizes = [1024, 128], strides = [1, 1]} : vector<1024x256xf32> to vector<1024x128xf32>
    %swap3A = arith.constant 0 : index
    %swap3A_47 = arith.constant 0 : index
    %swap3A_48 = arith.constant 0 : index
    %swap3A_49 = vector.load %arg10[%swap3A, %swap3A_47, %swap3A_48] : memref<2x1024x128xf32, #tpu.memory_space<vmem>>, vector<1x1024x128xf32>
    %swap3A_50 = vector.shape_cast %swap3A_49 : vector<1x1024x128xf32> to vector<1024x128xf32>
    %swap3A_51 = vector.shape_cast %slice3A : vector<1024x128xf32> to vector<1x1024x128xf32>
    tpu.vector_store %arg10[%swap3A, %swap3A_47, %swap3A_48], %swap3A_51 {strides = array<i32>} : memref<2x1024x128xf32, #tpu.memory_space<vmem>>, vector<1x1024x128xf32>,
    %slice3A_52 = vector.extract_strided_slice %mul3A_46 {offsets = [0, 128], sizes = [1024, 128], strides = [1, 1]} : vector<1024x256xf32> to vector<1024x128xf32>
    %swap3A_53 = arith.constant 1 : index
    %swap3A_54 = arith.constant 0 : index
    %swap3A_55 = arith.constant 0 : index
    %swap3A_56 = vector.load %arg10[%swap3A_53, %swap3A_54, %swap3A_55] : memref<2x1024x128xf32, #tpu.memory_space<vmem>>, vector<1x1024x128xf32>
    %swap3A_57 = vector.shape_cast %swap3A_56 : vector<1x1024x128xf32> to vector<1024x128xf32>
    %swap3A_58 = vector.shape_cast %slice3A_52 : vector<1024x128xf32> to vector<1x1024x128xf32>
    tpu.vector_store %arg10[%swap3A_53, %swap3A_54, %swap3A_55], %swap3A_58 {strides = array<i32>} : memref<2x1024x128xf32, #tpu.memory_space<vmem>>, vector<1x1024x128xf32>,
    return
  }
  func.func @transform_0(%arg0: i32) -> (i32, i32) {
    %c0_i32 = arith.constant 0 : i32
    %c0_i32_0 = arith.constant 0 : i32
    return %arg0, %c0_i32 : i32, i32
  }
  func.func @transform_1(%arg0: i32) -> (i32, i32) {
    %c0_i32 = arith.constant 0 : i32
    %c0_i32_0 = arith.constant 0 : i32
    return %arg0, %c0_i32 : i32, i32
  }
  func.func @transform_2(%arg0: i32) -> (i32, i32) {
    %c0_i32 = arith.constant 0 : i32
    %c0_i32_0 = arith.constant 0 : i32
    return %arg0, %c0_i32 : i32, i32
  }
  func.func @transform_3(%arg0: i32) -> (i32, i32, i32) {
    %c0_i32 = arith.constant 0 : i32
    %c0_i32_0 = arith.constant 0 : i32
    %c0_i32_1 = arith.constant 0 : i32
    return %c0_i32, %arg0, %c0_i32_0 : i32, i32, i32
  }
  func.func @transform_4(%arg0: i32) -> (i32, i32) {
    %c0_i32 = arith.constant 0 : i32
    %c0_i32_0 = arith.constant 0 : i32
    %c0_i32_1 = arith.constant 0 : i32
    return %c0_i32, %c0_i32_0 : i32, i32
  }
  func.func @transform_5(%arg0: i32) -> (i32, i32) {
    %c0_i32 = arith.constant 0 : i32
    %c0_i32_0 = arith.constant 0 : i32
    %c0_i32_1 = arith.constant 0 : i32
    return %c0_i32, %c0_i32_0 : i32, i32
  }
  func.func @transform_6(%arg0: i32) -> (i32, i32) {
    %c0_i32 = arith.constant 0 : i32
    %c0_i32_0 = arith.constant 0 : i32
    %c0_i32_1 = arith.constant 0 : i32
    return %c0_i32, %c0_i32_0 : i32, i32
  }
  func.func @transform_7(%arg0: i32) -> (i32, i32) {
    %c0_i32 = arith.constant 0 : i32
    %c0_i32_0 = arith.constant 0 : i32
    %c0_i32_1 = arith.constant 0 : i32
    return %c0_i32, %c0_i32_0 : i32, i32
  }
  func.func @transform_8(%arg0: i32) -> (i32, i32) {
    %c0_i32 = arith.constant 0 : i32
    %c0_i32_0 = arith.constant 0 : i32
    %c0_i32_1 = arith.constant 0 : i32
    return %c0_i32, %c0_i32_0 : i32, i32
  }
  func.func @transform_9(%arg0: i32) -> (i32, i32, i32) {
    %c0_i32 = arith.constant 0 : i32
    %c0_i32_0 = arith.constant 0 : i32
    %c0_i32_1 = arith.constant 0 : i32
    return %c0_i32, %arg0, %c0_i32_0 : i32, i32, i32
  }
}

module attributes {stable_mosaic.version = 14 : i64} {
  func.func @_out_tc_body(%arg0: i32, %arg1: memref<2000x256xf32, #tpu.memory_space<vmem>>, %arg2: memref<256x256xf32, #tpu.memory_space<vmem>>, %arg3: memref<1x256xf32, #tpu.memory_space<vmem>>, %arg4: memref<2000x256xf32, #tpu.memory_space<vmem>>) attributes {dimension_semantics = [#tpu.dimension_semantics<arbitrary>], iteration_bounds = array<i64: 5>, scalar_prefetch = 0 : i64, scratch_operands = 0 : i64, tpu.core_type = #tpu.core_type<tc>, window_params = [{transform_indices = @transform_0, window_bounds = array<i64: 2000, 256>}, {pipeline_mode = #tpu.pipeline_mode<synchronous>, transform_indices = @transform_1, window_bounds = array<i64: 256, 256>}, {pipeline_mode = #tpu.pipeline_mode<synchronous>, transform_indices = @transform_2, window_bounds = array<i64: 1, 256>}, {transform_indices = @transform_3, window_bounds = array<i64: 2000, 256>}]} {
    %get3A = arith.constant 0 : index
    %get3A_0 = arith.constant 0 : index
    %get3A_1 = vector.load %arg1[%get3A, %get3A_0] : memref<2000x256xf32, #tpu.memory_space<vmem>>, vector<2000x256xf32>
    %get3A_2 = arith.constant 0 : index
    %get3A_3 = arith.constant 0 : index
    %get3A_4 = vector.load %arg2[%get3A_2, %get3A_3] : memref<256x256xf32, #tpu.memory_space<vmem>>, vector<256x256xf32>
    %dot_general3A = arith.constant dense<0.000000e+00> : vector<2000x256xf32>
    %dot_general3A_5 = tpu.matmul %get3A_1, %get3A_4, %dot_general3A {dimension_numbers = #tpu.dot_dimension_numbers<[1], [0], [0], [1], [0, 0, 1, 1], [], []>, transpose_lhs_hint = false} : vector<2000x256xf32>, vector<256x256xf32>, vector<2000x256xf32> -> vector<2000x256xf32>
    %get3A_6 = arith.constant 0 : index
    %get3A_7 = arith.constant 0 : index
    %get3A_8 = vector.load %arg3[%get3A_6, %get3A_7] : memref<1x256xf32, #tpu.memory_space<vmem>>, vector<1x256xf32>
    %add3A = vector.broadcast %get3A_8 : vector<1x256xf32> to vector<2000x256xf32>
    %add3A_9 = arith.addf %dot_general3A_5, %add3A : vector<2000x256xf32>
    %max3A = arith.constant 0.000000e+00 : f32
    %max3A_10 = vector.broadcast %max3A : f32 to vector<2000x256xf32>
    %max3A_11 = arith.maximumf %add3A_9, %max3A_10 : vector<2000x256xf32>
    %abs3A = math.absf %add3A_9 : vector<2000x256xf32>
    %neg3A = arith.constant 0.000000e+00 : f32
    %neg3A_12 = vector.broadcast %neg3A : f32 to vector<2000x256xf32>
    %neg3A_13 = arith.subf %neg3A_12, %abs3A : vector<2000x256xf32>
    %exp3A = math.exp %neg3A_13 : vector<2000x256xf32>
    %log1p3A = math.log1p %exp3A : vector<2000x256xf32>
    %add3A_14 = arith.addf %max3A_11, %log1p3A : vector<2000x256xf32>
    %sub3A = arith.constant 0.693147182 : f32
    %sub3A_15 = vector.broadcast %sub3A : f32 to vector<2000x256xf32>
    %sub3A_16 = arith.subf %add3A_14, %sub3A_15 : vector<2000x256xf32>
    %swap3A = arith.constant 0 : index
    %swap3A_17 = arith.constant 0 : index
    %swap3A_18 = vector.load %arg4[%swap3A, %swap3A_17] : memref<2000x256xf32, #tpu.memory_space<vmem>>, vector<2000x256xf32>
    tpu.vector_store %arg4[%swap3A, %swap3A_17], %sub3A_16 {strides = array<i32>} : memref<2000x256xf32, #tpu.memory_space<vmem>>, vector<2000x256xf32>,
    return
  }
  func.func @transform_0(%arg0: i32) -> (i32, i32) {
    %c0_i32 = arith.constant 0 : i32
    %c0_i32_0 = arith.constant 0 : i32
    return %arg0, %c0_i32 : i32, i32
  }
  func.func @transform_1(%arg0: i32) -> (i32, i32) {
    %c0_i32 = arith.constant 0 : i32
    %c0_i32_0 = arith.constant 0 : i32
    %c0_i32_1 = arith.constant 0 : i32
    return %c0_i32, %c0_i32_0 : i32, i32
  }
  func.func @transform_2(%arg0: i32) -> (i32, i32) {
    %c0_i32 = arith.constant 0 : i32
    %c0_i32_0 = arith.constant 0 : i32
    %c0_i32_1 = arith.constant 0 : i32
    return %c0_i32, %c0_i32_0 : i32, i32
  }
  func.func @transform_3(%arg0: i32) -> (i32, i32) {
    %c0_i32 = arith.constant 0 : i32
    %c0_i32_0 = arith.constant 0 : i32
    return %arg0, %c0_i32 : i32, i32
  }
}

</mosaic_0001>

<sc_bundles>
// kernel: kernel.10.cloned.1.call-start
scs
__scs_entry_jumppad:
0x0: {  	(pc) =	sbr.rel $0x88, $3  }
0x1: {  	(tag) =	ssettag $0x0;
	lr =	simm.s32 $0x1  }
0x2: {  	[smem:$0x3F94] =	sst lr;
	_ =	strace $0xD0000000  }
0x3: {  	_ = 	snop  }
0x4: {  	_ = 	snop  }
0x5: {  	_ = 	snop  }
0x6: {  	_ = 	snop  }
0x7: {  	_ = 	snop  }
__scs_overlays_trampoline_lowered:
0x8: {  	[smem:$0x3FA3] =	sst s0  }
0x9: {  	[smem:$0x3FA4] =	sst s1  }
0xa: {  	[smem:$0x3FA5] =	sst s2  }
0xb: {  	[smem:$0x3FA6] =	sst s3  }
0xc: {  	[smem:$0x3FA7] =	sst s4  }
0xd: {  	[smem:$0x3FA8] =	sst s5  }
0xe: {  	[smem:$0x3FA9] =	sst s6  }
0xf: {  	[smem:$0x3FAA] =	sst s7  }
0x10: {  	[smem:$0x3FAB] =	sst s8  }
0x11: {  	[smem:$0x3FAC] =	sst s9;
	s0 =	simm.s32 @!p0 $0x0  }
0x12: {  	s1 =	sld [smem:$0x3F92];
	s0 =	simm.s32 @p0 $0x1  }
0x13: {  	[smem:$0x3FAD] =	sst s0;
	s0 =	simm.s32 @!p1 $0x0  }
0x14: {  	s2 =	sld [smem:$0x3F91];
	s0 =	simm.s32 @p1 $0x1  }
0x15: {  	[smem:$0x3FAE] =	sst s0;
	s0 =	simm.s32 @!p2 $0x0  }
0x16: {  	s3 =	sld [smem:$0x3FDB];
	s0 =	simm.s32 @p2 $0x1  }
0x17: {  	s4 =	simm.s32 $0x1BF5;
	[smem:$0x3FB0] =	sst s0  }
0x18: {  	s0 =	sld [smem:$0x3F93];
	_ =	swait.ge [sflag:s4], $0x0  }
0x19: {  	s7 =	sld [smem:$0x3F94]  }
0x1a: {  	s8 =	sadd.s32 $0xFFFFE003, lr  }
0x1b: {  	s9 =	sadd.s32 $0xFFFFFEF7, lr;
	s5 =	simm.s32 $0xFFFFFFFF;
	p2 =	slt.u32 s8, $0xFFFFF086  }
0x1c: {  	p1 =	slt.u32 s9, $0xF7A;
	s5 =	simm.s32 @!p2 $0x0  }
0x1d: {  	s5 =	simm.s32 @p1 $0x1;
	p0 =	seq.s32 s7, s2  }
0x1e: {  	s7 =	smul.u32 @!p0 $0xF7A, s2;
	p2 =	seq.s32 @!p0 s5, $0x0  }
0x1f: {  	s9 =	smul.u32 $0xF7A, s1;
	s8 =	simm.s32 @!p0 $0x1BF5;
	p2 =	por !p2, p0  }
0x20: {  	[sflag:s8] =	ssyncset.s32 @!p0 $0xFFFFF086;
	s6 =	sadd.s32 @!p0 s3, s7;
	s7 =	simm.s32 @!p0 $0x108  }
0x21: {  	s3 =	sadd.s32 s3, s9;
	s6 =	sadd.s32 @!p0 $0x88, s6;
	s7 =	simm.s32 @p2 $0x1082  }
0x22: {  	[simem:s7], [sflag:s8] =	dma.local @!p0 [hbm:s6], $0xF7A  }
0x23: {  	s9 =	sor.u32 $0xD0000000, s2;
	s6 =	simm.s32 $0x108;
	_ =	swait.ge @!p0 [sflag:s8], $0x0  }
0x24: {  	s3 =	sadd.s32 $0x88, s3;
	s6 =	simm.s32 @!p1 $0x1082;
	[sflag:s4] =	ssyncset.s32 $0xFFFFF086  }
0x25: {  	[simem:s6], [sflag:s4] =	dma.local [hbm:s3], $0xF7A  }
0x26: {  	[smem:$0x3F94] =	sst s1;
	(tag) =	ssettag s2;
	_ =	strace s9  }
0x27: {  	s1 =	sld [smem:$0x3FA4]  }
0x28: {  	s2 =	sld [smem:$0x3FA5]  }
0x29: {  	s4 =	sld [smem:$0x3FA7]  }
0x2a: {  	p0 =	seq.s32 s5, $0x0;
	s5 =	sld [smem:$0x3FA8]  }
0x2b: {  	s6 =	sld [smem:$0x3FA9]  }
0x2c: {  	s7 =	sld [smem:$0x3FAA]  }
0x2d: {  	s3 =	simm.s32 $0x108;
	s8 =	sld [smem:$0x3FAB]  }
0x2e: {  	s3 =	simm.s32 @!p0 $0x1082;
	s9 =	sld [smem:$0x3FAC]  }
0x2f: {  	lr =	sadd.s32 s0, s3;
	s0 =	sld [smem:$0x3FA3]  }
0x30: {  	s3 =	sld [smem:$0x3FA6]  }
0x31: {  	[smem:$0x3FAF] =	sst s10  }
0x32: {  	s10 =	sld [smem:$0x3FAD];
	_ =	sdelay $0x3  }
0x33: {  	p0 =	seq.s32 s10, $0x1;
	s10 =	sld [smem:$0x3FAF];
	_ =	sdelay $0x3  }
0x34: {  	[smem:$0x3FAF] =	sst s10  }
0x35: {  	s10 =	sld [smem:$0x3FAE];
	_ =	sdelay $0x3  }
0x36: {  	p1 =	seq.s32 s10, $0x1;
	s10 =	sld [smem:$0x3FAF];
	_ =	sdelay $0x3  }
0x37: {  	[smem:$0x3FAF] =	sst s10  }
0x38: {  	s10 =	sld [smem:$0x3FB0]  }
0x39: {  	_ = 	snop;
	(pc) =	sbr.ind lr, $3  }
0x3a: {  	_ = 	snop  }
0x3b: {  	_ = 	snop  }
0x3c: {  	p2 =	seq.s32 s10, $0x1;
	s10 =	sld [smem:$0x3FAF]  }
0x3d: {  	_ =	shalt  }
0x3e: {  	_ =	shalt  }
0x3f: {  	_ =	shalt  }
0x40: {  	_ =	shalt  }
0x41: {  	_ =	shalt  }
0x42: {  	_ =	shalt  }
0x43: {  	_ =	shalt  }
0x44: {  	_ =	shalt  }
0x45: {  	_ =	shalt  }
0x46: {  	_ =	shalt  }
0x47: {  	_ =	shalt  }
0x48: {  	_ =	shalt  }
0x49: {  	_ =	shalt  }
0x4a: {  	_ =	shalt  }
0x4b: {  	_ =	shalt  }
0x4c: {  	_ =	shalt  }
0x4d: {  	_ =	shalt  }
0x4e: {  	_ =	shalt  }
0x4f: {  	_ =	shalt  }
0x50: {  	_ =	shalt  }
0x51: {  	_ =	shalt  }
0x52: {  	_ =	shalt  }
0x53: {  	_ =	shalt  }
0x54: {  	_ =	shalt  }
0x55: {  	_ =	shalt  }
0x56: {  	_ =	shalt  }
0x57: {  	_ =	shalt  }
0x58: {  	_ =	shalt  }
0x59: {  	_ =	shalt  }
0x5a: {  	_ =	shalt  }
0x5b: {  	_ =	shalt  }
0x5c: {  	_ =	shalt  }
0x5d: {  	_ =	shalt  }
0x5e: {  	_ =	shalt  }
0x5f: {  	_ =	shalt  }
0x60: {  	_ =	shalt  }
0x61: {  	_ =	shalt  }
0x62: {  	_ =	shalt  }
0x63: {  	_ =	shalt  }
0x64: {  	_ =	shalt  }
0x65: {  	_ =	shalt  }
0x66: {  	_ =	shalt  }
0x67: {  	_ =	shalt  }
0x68: {  	_ =	shalt  }
0x69: {  	_ =	shalt  }
0x6a: {  	_ =	shalt  }
0x6b: {  	_ =	shalt  }
0x6c: {  	_ =	shalt  }
0x6d: {  	_ =	shalt  }
0x6e: {  	_ =	shalt  }
0x6f: {  	_ =	shalt  }
0x70: {  	_ =	shalt  }
0x71: {  	_ =	shalt  }
0x72: {  	_ =	shalt  }
0x73: {  	_ =	shalt  }
0x74: {  	_ =	shalt  }
0x75: {  	_ =	shalt  }
0x76: {  	_ =	shalt  }
0x77: {  	_ =	shalt  }
0x78: {  	_ =	shalt  }
0x79: {  	_ =	shalt  }
0x7a: {  	_ =	shalt  }
0x7b: {  	_ =	shalt  }
0x7c: {  	_ =	shalt  }
0x7d: {  	_ =	shalt  }
0x7e: {  	_ =	shalt  }
0x7f: {  	_ =	shalt  }
0x80: {  	_ =	shalt  }
0x81: {  	_ =	shalt  }
0x82: {  	_ =	shalt  }
0x83: {  	_ =	shalt  }
0x84: {  	_ =	shalt  }
0x85: {  	_ =	shalt  }
0x86: {  	_ =	shalt  }
0x87: {  	_ =	shalt  }
.Lfunc_end0:
.L_simem_size_0:
called_computation.2_lowered:
.L_overlay_start_0:
0x88: {  	s2 =	sld [smem:$0x3FD9]  }
0x89: {  	s3 =	sld [smem:$0x3FFE];
	_ =	sdelay $0x1  }
0x8a: {  	s1 =	srdreg.scid  }
0x8b: {  	s0 =	sand.u32 $0x1, s1  }
0x8c: {  	s17 =	sshll.u32 s0, $0xA;
	s2 =	sadd.s32 s3, s2  }
0x8d: {  	s2 =	sadd.s32 s2, s17  }
0x8e: {  	[smem:$0x3FBB] =	sst s2  }
0x8f: {  	_ = 	snop  }
0x90: {  	s18 =	sld [smem:$0x3FD0];
	(tm) =	ssettm $0x1  }
0x91: {  	s19 =	sld [smem:$0x3FFB];
	_ =	sdelay $0x3  }
0x92: {  	_ =	strace s19  }
0x93: {  	s2 =	sld [smem:$0x3FFC];
	_ =	sdelay $0x3  }
0x94: {  	_ =	strace s2  }
0x95: {  	s2 =	sld [smem:$0x3FFD];
	_ =	sdelay $0x3  }
0x96: {  	_ =	strace s2  }
0x97: {  	_ =	strace $0x8FFFFFFF  }
0x98: {  	s20 =	sld [smem:$0x3FDB];
	_ =	sdelay $0x1  }
0x99: {  	s4 =	simm.s32 $_scs_section_size  }
0x9a: {  	s5 =	simm.s32 $_size__tile_overlayer_lowered;
	s6 =	simm.s32 $_tile_overlayer_lowered  }
0x9b: {  	s7 =	simm.s32 $0x1BFF;
	s21 =	sshll.u32 s6, $0x1;
	s4 =	sadd.s32 s4, s20  }
0x9c: {  	s22 =	simm.s32 $0x0;
	s5 =	sshll.u32 s5, $0x1;
	s6 =	sadd.s32 s21, s4  }
0x9d: {  	[timem:s22], [sflag:s7] =	dma.local [hbm:s6], s5  }
0x9e: {  	_ =	swait.ge [sflag:s7], s5  }
0x9f: {  	s5 =	ssub.s32 $0x0, s5;
	[sflag:s7] =	ssyncset.done $0x0  }
0xa0: {  	[sflag:s7] =	ssyncadd.s32 s5;
	_ =	sdelay $0x1  }
0xa1: {  	s23 =	simm.s32 $0x1B8B  }
0xa2: {  	_ =	swait.ge [sflag:s23], $0x1  }
0xa3: {  	[sflag:s23] =	ssyncset.done $0x0  }
0xa4: {  	[sflag:s23] =	ssyncadd.s32 $0xFFFFFFFF  }
0xa5: {  	s5 =	sld [smem:$0x0]  }
0xa6: {  	s6 =	sand.u32 $0xFFFFFFFE, s1  }
0xa7: {  	p0 =	sne.s32 s1, s6  }
0xa8: {  	s6 =	sshll.u32 @p0 s6, $0xE  }
0xa9: {  	s6 =	sadd.s32 @p0 $0x11B8D, s6;
	s7 =	sshll.u32 @p0 s5, $0x11  }
0xaa: {  	s6 =	sor.u32 @p0 s7, s6  }
0xab: {  	[sflag:s6] =	ssyncadd.remote.s32 @p0 $0x1;
	_ =	sdelay $0x1  }
0xac: {  	s6 =	simm.s32 @p0 $0x1B8D  }
0xad: {  	_ =	swait.eq @p0 [sflag:s6], $0x1  }
0xae: {  	[sflag:s6] =	ssyncadd.s32 @p0 $0xFFFFFFFF  }
0xaf: {  	s7 =	sshll.u32 @!p0 s1, $0xE  }
0xb0: {  	s7 =	sor.u32 @!p0 $0x4000, s7;
	s6 =	simm.s32 @!p0 $0x1B8D  }
0xb1: {  	s5 =	sshll.u32 @!p0 s5, $0x11;
	s7 =	sadd.s32 @!p0 $0x11B8D, s7;
	_ =	swait.eq @!p0 [sflag:s6], $0x1  }
0xb2: {  	s5 =	sor.u32 @!p0 s5, s7;
	[sflag:s6] =	ssyncadd.s32 @!p0 $0xFFFFFFFF  }
0xb3: {  	s25 =	simm.s32 $0x1B8E;
	s24 =	sld [smem:$0x3FFE];
	[sflag:s5] =	ssyncadd.remote.s32 @!p0 $0x1  }
0xb4: {  	s26 =	simm.s32 $execute0_lowered;
	[smem:$0x3FD2] =	sst s25  }
0xb5: {  	s6 =	sshll.u32 s26, $0x1;
	_ =	strace $0x80000049;
	[dreg:$0x1] =	wrdreg $0xFFFFFFFF  }
0xb6: {  	s28 =	simm.s32 $_size_execute0_lowered;
	s4 =	sadd.s32 s4, s6;
	[dreg:$0x0] =	wrdreg $0x0  }
0xb7: {  	s6 =	sshll.u32 s28, $0x1;
	[dreg:$0x2] =	wrdreg s4  }
0xb8: {  	[dreg:$0x3] =	wrdreg s6  }
0xb9: {  	[dreg:$0x4] =	wrdreg $0xC0  }
0xba: {  	_ =	task [dreg:s22], $0x5FFFF  }
0xbb: {  	[dreg:$0x1] =	wrdreg $0xFFFFFFFF  }
0xbc: {  	[dreg:$0x0] =	wrdreg $0x60  }
0xbd: {  	[dreg:$0x2] =	wrdreg s24  }
0xbe: {  	[dreg:$0x3] =	wrdreg s18  }
0xbf: {  	[dreg:$0x4] =	wrdreg $0xA  }
0xc0: {  	_ =	task.clear_ibuf [dreg:s22], $0x5FFFF;
	_ =	strace $0x90000049  }
0xc1: {  	s29 =	simm.s32 $0xA;
	_ =	strace $0x8000004B  }
0xc2: {  	_ =	swait.ge [sflag:s29], $0x1  }
0xc3: {  	[sflag:s29] =	ssyncadd.s32 $0xFFFFFFFF  }
0xc4: {  	_ =	strace $0x9000004B  }
0xc5: {  	_ =	sfence  }
0xc6: {  	s30 =	sld [smem:$0x0];
	_ =	sdelay $0x2  }
0xc7: {  	s31 =	sshll.u32 s1, $0xD;
	s1 =	sshrl.u32 s1, $0x2  }
0xc8: {  	s4 =	sand.u32 $0x4000, s31;
	s1 =	sadd.s32 s1, s30  }
0xc9: {  	s0 =	sor.u32 s4, s0;
	s1 =	sshll.u32 s1, $0x11  }
0xca: {  	s0 =	sor.u32 s1, s0  }
0xcb: {  	s0 =	sadd.s32 $0x8F2B, s0  }
0xcc: {  	[sflag:s0] =	ssyncadd.remote.s32 $0x1  }
0xcd: {  	_ =	sfence.sel $0xFFFF  }
0xce: {  	[dreg:$0x0] =	wrdreg $0xFFFFFFFF;
	(pc) =	sbr.abs _section_cstart, $3  }
0xcf: {  	[dreg:$0x1] =	wrdreg $0xFFFFFFFF  }
0xd0: {  	_ =	task.clear_ibuf [dreg:s22], $0x2FFFF;
	_ =	strace $0x9FFFFFFF  }
0xd1: {  	(tm) =	ssettm $0x7FFFFFFF  }
tec
execute0_lowered:
.L_overlay_start_1:
0x0: {  	(tag) =	ssettag $0x1  }
0x1: {  	s5 =	rddreg [dreg:$0x0]  }
0x2: {  	s0 =	srdreg.scid;
	s2 =	rddreg [dreg:$0x1];
	s3 =	simm.s32 $0x0  }
0x3: {  	s10 =	simm.s32 $0x1;
	s4 =	sand.u32 $0x1, s0;
	s0 =	stileid.u32  }
0x4: {  	s11 =	simm.s32 $0x0;
	[smem:$0x7FF] =	sst s3;
	s7 =	smul.u32 $0x278000, s4  }
0x5: {  	s1 =	sshll.u32 s4, $0x4;
	s4 =	ssub.s32 $0x2, s4;
	s9 =	smul.u32 $0x27800, s0  }
0x6: {  	s6 =	sor.u32 s0, s1;
	s1 =	rddreg [dreg:$0x2];
	_ =	strace $0x8000004A  }
0x7: {  	s8 =	sshrl.u32 s4, $0x1;
	s6 =	smul.u32 $0x500, s6;
	s7 =	sadd.s32 s7, s5  }
0x8: {  	s30 =	ssub.s32 s4, s8;
	s8 =	simm.s32 $0x80;
	s31 =	sadd.s32 s9, s7  }
0x9: {  	s7 =	simm.s32 $0x2;
	s9 =	simm.s32 $0x2800;
	s6 =	sadd.s32 s6, s5  }
0xa: {  	s5 =	smax.u32 s30, $0x1;
	s4 =	sadd.s32 $0x10200, s6;
	s6 =	sadd.s32 $0x1A200, s31  }
.LBB2_1:
0xb: {  	[tilespmem:s3], [sflag:$0x2] =	stream.linear.gather [hbm4b:s4+s3], $0x2780, $0x38;
	[tilespmem:$0x6800] =	vst v63  }
0xc: {  	_ =	swait.ge [sflag:s7], $0x2780  }
0xd: {  	[sflag:s7] =	ssyncset.done $0x0  }
0xe: {  	s12 =	simm.s32 $0x0;
	[sflag:s7] =	ssyncadd.s32 $0xFFFFD880  }
0xf: {  	[tilespmem:s9], [sflag:$0x1] =	stream.indirect.gather [hbm4b:s2+s8], $0x80, s12, s8, $0xb8;
	[tilespmem:$0x6800] =	vst v63  }
0x10: {  	_ =	swait.ge [sflag:s10], $0x4000  }
0x11: {  	[sflag:s10] =	ssyncset.done $0x0  }
0x12: {  	[sflag:s10] =	ssyncadd.s32 $0xFFFFC000  }
0x13: {  	[hbm4b:s6+s3] =	stream.linear.scatter [tilespmem:s9], [sflag:$0x2], $0x4000, $0x38;
	[tilespmem:$0x6800] =	vst v63  }
0x14: {  	s13 =	simm.s32 $0x200;
	_ =	swait.ge [sflag:s7], $0x4000  }
0x15: {  	s14 =	simm.s32 $0x400;
	s12 =	sadd.s32 $0x800, s6;
	[sflag:s7] =	ssyncset.done $0x0  }
.LBB2_2:
0x16: {  	s15 =	sshra.s32 s13, $0x2  }
0x17: {  	[sflag:s7] =	ssyncadd.s32 $0xFFFFC000;
	s13 =	smov.u32 s14;
	s16 =	sadd.s32 $0x200, s14  }
0x18: {  	[tilespmem:s9], [sflag:$0x1] =	stream.indirect.gather [hbm4b:s2+s8], $0x80, s15, s8, $0xb8;
	[tilespmem:$0x6800] =	vst v63  }
0x19: {  	p0 =	sne.s32 s14, $0x9C00;
	_ =	swait.ge [sflag:s10], $0x4000  }
.Ltmp0:
0x1a: {  	[sflag:s10] =	ssyncset.done $0x0;
	(pc) =	sbr.rel @p0 .LBB2_2-.Ltmp0, $4  }
0x1b: {  	[sflag:s10] =	ssyncadd.s32 $0xFFFFC000  }
0x1c: {  	[hbm4b:s12+s3] =	stream.linear.scatter [tilespmem:s9], [sflag:$0x2], $0x4000, $0x38;
	[tilespmem:$0x6800] =	vst v63  }
0x1d: {  	_ =	swait.ge [sflag:s7], $0x4000  }
0x1e: {  	s14 =	smov.u32 s16;
	s12 =	sadd.s32 $0x800, s12;
	[sflag:s7] =	ssyncset.done $0x0  }
0x1f: {  	s13 =	sshra.s32 s13, $0x2;
	[sflag:s7] =	ssyncadd.s32 $0xFFFFC000  }
0x20: {  	[tilespmem:s9], [sflag:$0x1] =	stream.indirect.gather [hbm4b:s2+s8], $0x80, s13, s8, $0xb8;
	[tilespmem:$0x6800] =	vst v63  }
0x21: {  	s11 =	sadd.s32 $0x1, s11;
	_ =	swait.ge [sflag:s10], $0x4000  }
0x22: {  	p0 =	sne.s32 s11, s5;
	[sflag:s10] =	ssyncset.done $0x0  }
.Ltmp1:
0x23: {  	[sflag:s10] =	ssyncadd.s32 $0xFFFFC000;
	(pc) =	sbr.rel @p0 .LBB2_1-.Ltmp1, $4  }
0x24: {  	[hbm4b:s12+s3] =	stream.linear.scatter [tilespmem:s9], [sflag:$0x2], $0x4000, $0x38;
	[tilespmem:$0x6800] =	vst v63  }
0x25: {  	_ =	swait.ge [sflag:s7], $0x4000  }
0x26: {  	[sflag:s7] =	ssyncset.done $0x0  }
0x27: {  	[sflag:s7] =	ssyncadd.s32 $0xFFFFC000  }
0x28: {  	_ =	sfence.sel $0x180000  }
0x29: {  	[bflag:$0x0] =	sbarrier.arrive $0xFFFF  }
0x2a: {  	p0 =	sne.s32 s0, $0x0;
	_ =	strace $0x9000004A  }
0x2b: {  	s0 =	sadd.s32 @!p0 $0x100000, s1;
	[bflag:$0x2] =	sbarrier.arrive $0xFFFF  }
0x2c: {  	[sflag:s0] =	ssyncadd.tile.s32 @!p0 $0x1;
	_ =	shalt  }
.Lfunc_end2:
_tile_overlayer_lowered:
.L_overlay_start_2:
0x2d: {  	(tag) =	ssettag $0x2  }
0x2e: {  	s0 =	rddreg [dreg:$0x0];
	s2 =	stileid.u32  }
0x2f: {  	s1 =	rddreg [dreg:$0x1];
	p0 =	sne.s32 s2, $0x0  }
0x30: {  	s3 =	rddreg [dreg:$0x2];
	[bflag:$0x3] =	sbarrier.arrive $0xFFFF;
	s2 =	simm.s32 @!p0 $0x1C02  }
0x31: {  	[timem:s3], [sflag:s2] =	dma.local @!p0 [hbm:s0], s1  }
0x32: {  	s0 =	simm.s32 @!p0 $0x2  }
0x33: {  	_ =	swait.ge @!p0 [sflag:s0], s1  }
0x34: {  	s1 =	ssub.s32 @!p0 $0x0, s1;
	[sflag:s0] =	ssyncset.done @!p0 $0x0  }
0x35: {  	[sflag:s0] =	ssyncadd.s32 @!p0 s1  }
0x36: {  	[bflag:$0x3] =	sbarrier.arrive $0xFFFF  }
0x37: {  	_ =	shalt  }

// kernel: kernel.7.cloned.1.call-start
scs
__scs_entry_jumppad:
0x0: {  	(pc) =	sbr.rel $0x88, $3  }
0x1: {  	(tag) =	ssettag $0x0;
	lr =	simm.s32 $0x1  }
0x2: {  	[smem:$0x3F94] =	sst lr;
	_ =	strace $0xD0000000  }
0x3: {  	_ = 	snop  }
0x4: {  	_ = 	snop  }
0x5: {  	_ = 	snop  }
0x6: {  	_ = 	snop  }
0x7: {  	_ = 	snop  }
__scs_overlays_trampoline_lowered:
0x8: {  	[smem:$0x3FA3] =	sst s0  }
0x9: {  	[smem:$0x3FA4] =	sst s1  }
0xa: {  	[smem:$0x3FA5] =	sst s2  }
0xb: {  	[smem:$0x3FA6] =	sst s3  }
0xc: {  	[smem:$0x3FA7] =	sst s4  }
0xd: {  	[smem:$0x3FA8] =	sst s5  }
0xe: {  	[smem:$0x3FA9] =	sst s6  }
0xf: {  	[smem:$0x3FAA] =	sst s7  }
0x10: {  	[smem:$0x3FAB] =	sst s8  }
0x11: {  	[smem:$0x3FAC] =	sst s9;
	s0 =	simm.s32 @!p0 $0x0  }
0x12: {  	s1 =	sld [smem:$0x3F92];
	s0 =	simm.s32 @p0 $0x1  }
0x13: {  	[smem:$0x3FAD] =	sst s0;
	s0 =	simm.s32 @!p1 $0x0  }
0x14: {  	s2 =	sld [smem:$0x3F91];
	s0 =	simm.s32 @p1 $0x1  }
0x15: {  	[smem:$0x3FAE] =	sst s0;
	s0 =	simm.s32 @!p2 $0x0  }
0x16: {  	s3 =	sld [smem:$0x3FDB];
	s0 =	simm.s32 @p2 $0x1  }
0x17: {  	s4 =	simm.s32 $0x1BF5;
	[smem:$0x3FB0] =	sst s0  }
0x18: {  	s0 =	sld [smem:$0x3F93];
	_ =	swait.ge [sflag:s4], $0x0  }
0x19: {  	s7 =	sld [smem:$0x3F94]  }
0x1a: {  	s8 =	sadd.s32 $0xFFFFE003, lr  }
0x1b: {  	s9 =	sadd.s32 $0xFFFFFEF7, lr;
	s5 =	simm.s32 $0xFFFFFFFF;
	p2 =	slt.u32 s8, $0xFFFFF086  }
0x1c: {  	p1 =	slt.u32 s9, $0xF7A;
	s5 =	simm.s32 @!p2 $0x0  }
0x1d: {  	s5 =	simm.s32 @p1 $0x1;
	p0 =	seq.s32 s7, s2  }
0x1e: {  	s7 =	smul.u32 @!p0 $0xF7A, s2;
	p2 =	seq.s32 @!p0 s5, $0x0  }
0x1f: {  	s9 =	smul.u32 $0xF7A, s1;
	s8 =	simm.s32 @!p0 $0x1BF5;
	p2 =	por !p2, p0  }
0x20: {  	[sflag:s8] =	ssyncset.s32 @!p0 $0xFFFFF086;
	s6 =	sadd.s32 @!p0 s3, s7;
	s7 =	simm.s32 @!p0 $0x108  }
0x21: {  	s3 =	sadd.s32 s3, s9;
	s6 =	sadd.s32 @!p0 $0x88, s6;
	s7 =	simm.s32 @p2 $0x1082  }
0x22: {  	[simem:s7], [sflag:s8] =	dma.local @!p0 [hbm:s6], $0xF7A  }
0x23: {  	s9 =	sor.u32 $0xD0000000, s2;
	s6 =	simm.s32 $0x108;
	_ =	swait.ge @!p0 [sflag:s8], $0x0  }
0x24: {  	s3 =	sadd.s32 $0x88, s3;
	s6 =	simm.s32 @!p1 $0x1082;
	[sflag:s4] =	ssyncset.s32 $0xFFFFF086  }
0x25: {  	[simem:s6], [sflag:s4] =	dma.local [hbm:s3], $0xF7A  }
0x26: {  	[smem:$0x3F94] =	sst s1;
	(tag) =	ssettag s2;
	_ =	strace s9  }
0x27: {  	s1 =	sld [smem:$0x3FA4]  }
0x28: {  	s2 =	sld [smem:$0x3FA5]  }
0x29: {  	s4 =	sld [smem:$0x3FA7]  }
0x2a: {  	p0 =	seq.s32 s5, $0x0;
	s5 =	sld [smem:$0x3FA8]  }
0x2b: {  	s6 =	sld [smem:$0x3FA9]  }
0x2c: {  	s7 =	sld [smem:$0x3FAA]  }
0x2d: {  	s3 =	simm.s32 $0x108;
	s8 =	sld [smem:$0x3FAB]  }
0x2e: {  	s3 =	simm.s32 @!p0 $0x1082;
	s9 =	sld [smem:$0x3FAC]  }
0x2f: {  	lr =	sadd.s32 s0, s3;
	s0 =	sld [smem:$0x3FA3]  }
0x30: {  	s3 =	sld [smem:$0x3FA6]  }
0x31: {  	[smem:$0x3FAF] =	sst s10  }
0x32: {  	s10 =	sld [smem:$0x3FAD];
	_ =	sdelay $0x3  }
0x33: {  	p0 =	seq.s32 s10, $0x1;
	s10 =	sld [smem:$0x3FAF];
	_ =	sdelay $0x3  }
0x34: {  	[smem:$0x3FAF] =	sst s10  }
0x35: {  	s10 =	sld [smem:$0x3FAE];
	_ =	sdelay $0x3  }
0x36: {  	p1 =	seq.s32 s10, $0x1;
	s10 =	sld [smem:$0x3FAF];
	_ =	sdelay $0x3  }
0x37: {  	[smem:$0x3FAF] =	sst s10  }
0x38: {  	s10 =	sld [smem:$0x3FB0]  }
0x39: {  	_ = 	snop;
	(pc) =	sbr.ind lr, $3  }
0x3a: {  	_ = 	snop  }
0x3b: {  	_ = 	snop  }
0x3c: {  	p2 =	seq.s32 s10, $0x1;
	s10 =	sld [smem:$0x3FAF]  }
0x3d: {  	_ =	shalt  }
0x3e: {  	_ =	shalt  }
0x3f: {  	_ =	shalt  }
0x40: {  	_ =	shalt  }
0x41: {  	_ =	shalt  }
0x42: {  	_ =	shalt  }
0x43: {  	_ =	shalt  }
0x44: {  	_ =	shalt  }
0x45: {  	_ =	shalt  }
0x46: {  	_ =	shalt  }
0x47: {  	_ =	shalt  }
0x48: {  	_ =	shalt  }
0x49: {  	_ =	shalt  }
0x4a: {  	_ =	shalt  }
0x4b: {  	_ =	shalt  }
0x4c: {  	_ =	shalt  }
0x4d: {  	_ =	shalt  }
0x4e: {  	_ =	shalt  }
0x4f: {  	_ =	shalt  }
0x50: {  	_ =	shalt  }
0x51: {  	_ =	shalt  }
0x52: {  	_ =	shalt  }
0x53: {  	_ =	shalt  }
0x54: {  	_ =	shalt  }
0x55: {  	_ =	shalt  }
0x56: {  	_ =	shalt  }
0x57: {  	_ =	shalt  }
0x58: {  	_ =	shalt  }
0x59: {  	_ =	shalt  }
0x5a: {  	_ =	shalt  }
0x5b: {  	_ =	shalt  }
0x5c: {  	_ =	shalt  }
0x5d: {  	_ =	shalt  }
0x5e: {  	_ =	shalt  }
0x5f: {  	_ =	shalt  }
0x60: {  	_ =	shalt  }
0x61: {  	_ =	shalt  }
0x62: {  	_ =	shalt  }
0x63: {  	_ =	shalt  }
0x64: {  	_ =	shalt  }
0x65: {  	_ =	shalt  }
0x66: {  	_ =	shalt  }
0x67: {  	_ =	shalt  }
0x68: {  	_ =	shalt  }
0x69: {  	_ =	shalt  }
0x6a: {  	_ =	shalt  }
0x6b: {  	_ =	shalt  }
0x6c: {  	_ =	shalt  }
0x6d: {  	_ =	shalt  }
0x6e: {  	_ =	shalt  }
0x6f: {  	_ =	shalt  }
0x70: {  	_ =	shalt  }
0x71: {  	_ =	shalt  }
0x72: {  	_ =	shalt  }
0x73: {  	_ =	shalt  }
0x74: {  	_ =	shalt  }
0x75: {  	_ =	shalt  }
0x76: {  	_ =	shalt  }
0x77: {  	_ =	shalt  }
0x78: {  	_ =	shalt  }
0x79: {  	_ =	shalt  }
0x7a: {  	_ =	shalt  }
0x7b: {  	_ =	shalt  }
0x7c: {  	_ =	shalt  }
0x7d: {  	_ =	shalt  }
0x7e: {  	_ =	shalt  }
0x7f: {  	_ =	shalt  }
0x80: {  	_ =	shalt  }
0x81: {  	_ =	shalt  }
0x82: {  	_ =	shalt  }
0x83: {  	_ =	shalt  }
0x84: {  	_ =	shalt  }
0x85: {  	_ =	shalt  }
0x86: {  	_ =	shalt  }
0x87: {  	_ =	shalt  }
.Lfunc_end0:
.L_simem_size_0:
called_computation.1_lowered:
.L_overlay_start_0:
0x88: {  	s2 =	sld [smem:$0x3FD9]  }
0x89: {  	s3 =	sld [smem:$0x3FFE];
	_ =	sdelay $0x1  }
0x8a: {  	s1 =	srdreg.scid  }
0x8b: {  	s0 =	sand.u32 $0x1, s1  }
0x8c: {  	s16 =	sshll.u32 s0, $0xA;
	s2 =	sadd.s32 s3, s2  }
0x8d: {  	s2 =	sadd.s32 s2, s16  }
0x8e: {  	[smem:$0x3FBB] =	sst s2  }
0x8f: {  	_ = 	snop  }
0x90: {  	(tm) =	ssettm $0x1  }
0x91: {  	s17 =	sld [smem:$0x3FFB];
	_ =	sdelay $0x3  }
0x92: {  	_ =	strace s17  }
0x93: {  	s2 =	sld [smem:$0x3FFC];
	_ =	sdelay $0x3  }
0x94: {  	_ =	strace s2  }
0x95: {  	s2 =	sld [smem:$0x3FFD];
	_ =	sdelay $0x3  }
0x96: {  	_ =	strace s2  }
0x97: {  	_ =	strace $0x8FFFFFFF  }
0x98: {  	s18 =	sld [smem:$0x3FDB];
	_ =	sdelay $0x1  }
0x99: {  	s19 =	simm.s32 $_scs_section_size  }
0x9a: {  	s4 =	simm.s32 $_size__tile_overlayer_lowered;
	s5 =	simm.s32 $_tile_overlayer_lowered  }
0x9b: {  	s22 =	simm.s32 $0x1BFF;
	s21 =	sshll.u32 s5, $0x1;
	s2 =	sadd.s32 s19, s18  }
0x9c: {  	s6 =	simm.s32 $0x0;
	s20 =	sshll.u32 s4, $0x1;
	s4 =	sadd.s32 s21, s2  }
0x9d: {  	[timem:s6], [sflag:s22] =	dma.local [hbm:s4], s20  }
0x9e: {  	_ =	swait.ge [sflag:s22], s20  }
0x9f: {  	s3 =	ssub.s32 $0x0, s20;
	[sflag:s22] =	ssyncset.done $0x0  }
0xa0: {  	[sflag:s22] =	ssyncadd.s32 s3;
	_ =	sdelay $0x1  }
0xa1: {  	s23 =	simm.s32 $0x1B8B  }
0xa2: {  	_ =	swait.ge [sflag:s23], $0x1  }
0xa3: {  	[sflag:s23] =	ssyncset.done $0x0  }
0xa4: {  	s25 =	simm.s32 $0x1B8E;
	s24 =	sld [smem:$0x3FFE];
	[sflag:s23] =	ssyncadd.s32 $0xFFFFFFFF  }
0xa5: {  	s26 =	simm.s32 $execute0_lowered;
	[smem:$0x3FD2] =	sst s25  }
0xa6: {  	s4 =	sshll.u32 s26, $0x1;
	_ =	strace $0x80000046;
	[dreg:$0x1] =	wrdreg $0xFFFFFFFF  }
0xa7: {  	s28 =	simm.s32 $_size_execute0_lowered;
	s2 =	sadd.s32 s2, s4;
	[dreg:$0x0] =	wrdreg $0x0  }
0xa8: {  	s4 =	sshll.u32 s28, $0x1;
	[dreg:$0x2] =	wrdreg s2  }
0xa9: {  	[dreg:$0x3] =	wrdreg s4  }
0xaa: {  	[dreg:$0x4] =	wrdreg $0xC0  }
0xab: {  	_ =	task [dreg:s6], $0x5FFFF  }
0xac: {  	[dreg:$0x1] =	wrdreg $0xFFFFFFFF  }
0xad: {  	[dreg:$0x0] =	wrdreg $0x60  }
0xae: {  	[dreg:$0x2] =	wrdreg s24  }
0xaf: {  	[dreg:$0x3] =	wrdreg $0x9  }
0xb0: {  	_ =	task.clear_ibuf [dreg:s6], $0x4FFFF;
	_ =	strace $0x90000046  }
0xb1: {  	s29 =	simm.s32 $0x9;
	_ =	strace $0x80000048  }
0xb2: {  	_ =	swait.ge [sflag:s29], $0x1  }
0xb3: {  	[sflag:s29] =	ssyncadd.s32 $0xFFFFFFFF  }
0xb4: {  	_ =	strace $0x90000048  }
0xb5: {  	_ =	sfence  }
0xb6: {  	s30 =	sld [smem:$0x0];
	_ =	sdelay $0x2  }
0xb7: {  	s31 =	sshll.u32 s1, $0xD;
	s1 =	sshrl.u32 s1, $0x2  }
0xb8: {  	s3 =	sand.u32 $0x4000, s31;
	s1 =	sadd.s32 s1, s30  }
0xb9: {  	s0 =	sor.u32 s3, s0;
	s1 =	sshll.u32 s1, $0x11  }
0xba: {  	s0 =	sor.u32 s1, s0  }
0xbb: {  	s0 =	sadd.s32 $0x8F2B, s0  }
0xbc: {  	[sflag:s0] =	ssyncadd.remote.s32 $0x1  }
0xbd: {  	_ =	sfence.sel $0xFFFF  }
0xbe: {  	[dreg:$0x0] =	wrdreg $0xFFFFFFFF;
	(pc) =	sbr.abs _section_cstart, $3  }
0xbf: {  	[dreg:$0x1] =	wrdreg $0xFFFFFFFF  }
0xc0: {  	_ =	task.clear_ibuf [dreg:s6], $0x2FFFF;
	_ =	strace $0x9FFFFFFF  }
0xc1: {  	(tm) =	ssettm $0x7FFFFFFF  }
tec
execute0_lowered:
.L_overlay_start_1:
0x0: {  	(tag) =	ssettag $0x1  }
0x1: {  	s1 =	srdreg.scid  }
0x2: {  	s0 =	stileid.u32;
	s6 =	rddreg [dreg:$0x0];
	s2 =	simm.s32 $0x0  }
0x3: {  	s10 =	simm.s32 $0x2800;
	s11 =	simm.s32 $0x1;
	s12 =	simm.s32 $0x4F80  }
0x4: {  	s13 =	simm.s32 $0x7700;
	s14 =	simm.s32 $0x1400;
	s15 =	simm.s32 $0x9E80  }
0x5: {  	s4 =	sand.u32 $0x1, s1;
	s3 =	sshll.u32 s0, $0x1;
	s1 =	rddreg [dreg:$0x1]  }
0x6: {  	s16 =	simm.s32 $0x0;
	[smem:$0x7FF] =	sst s2;
	s3 =	sor.u32 s4, s3  }
0x7: {  	_ =	strace $0x80000047;
	s7 =	ssub.s32 $0x2, s4;
	s5 =	smul.u32 $0x278, s3  }
0x8: {  	s4 =	sadd.s32 $0xA600, s6;
	s3 =	sadd.s32 $0xAC00, s6;
	s8 =	sshrl.u32 s7, $0x1  }
0x9: {  	s9 =	ssub.s32 s7, s8;
	s5 =	sadd.s32 s6, s5;
	s6 =	sadd.s32 $0xA000, s6  }
0xa: {  	s9 =	smax.u32 s9, $0x1;
	s7 =	sadd.s32 $0x5000, s5;
	s8 =	sadd.s32 $0xB200, s5  }
.LBB2_1:
0xb: {  	[tilespmem:s10], [sflag:$0x1] =	stream.linear.gather [hbm4b:s3+s2], $0x2780, $0x38;
	[tilespmem:$0xB280] =	vst v63  }
0xc: {  	_ =	swait.ge [sflag:s11], $0x2780  }
0xd: {  	[sflag:s11] =	ssyncset.done $0x0  }
0xe: {  	[sflag:s11] =	ssyncadd.s32 $0xFFFFD880  }
0xf: {  	[tilespmem:s12], [sflag:$0x1] =	stream.linear.gather [hbm4b:s4+s2], $0x2780, $0x38;
	[tilespmem:$0xB280] =	vst v63  }
0x10: {  	_ =	swait.ge [sflag:s11], $0x2780  }
0x11: {  	[sflag:s11] =	ssyncset.done $0x0  }
0x12: {  	[sflag:s11] =	ssyncadd.s32 $0xFFFFD880  }
0x13: {  	[tilespmem:s13], [sflag:$0x1] =	stream.linear.gather [hbm4b:s6+s2], $0x2780, $0x38;
	[tilespmem:$0xB280] =	vst v63  }
0x14: {  	_ =	swait.ge [sflag:s11], $0x2780  }
0x15: {  	[sflag:s11] =	ssyncset.done $0x0  }
0x16: {  	[sflag:s11] =	ssyncadd.s32 $0xFFFFD880  }
0x17: {  	[tilespmem:s2], [sflag:$0x1] =	stream.linear.gather [hbm4b:s7+s2], $0x13C0, $0x38;
	[tilespmem:$0xB280] =	vst v63  }
0x18: {  	_ =	swait.ge [sflag:s11], $0x13C0  }
0x19: {  	[sflag:s11] =	ssyncset.done $0x0  }
0x1a: {  	[sflag:s11] =	ssyncadd.s32 $0xFFFFEC40  }
0x1b: {  	[tilespmem:s14], [sflag:$0x1] =	stream.linear.gather [hbm4b:s5+s2], $0x13C0, $0x38;
	[tilespmem:$0xB280] =	vst v63  }
0x1c: {  	_ =	swait.ge [sflag:s11], $0x13C0  }
0x1d: {  	[sflag:s11] =	ssyncset.done $0x0  }
0x1e: {  	s17 =	simm.s32 $0x0;
	[sflag:s11] =	ssyncadd.s32 $0xFFFFEC40  }
0x1f: {  	v0 =	vld [tilespmem:s17+$0x1400]  }
0x20: {  	v1 =	vld [tilespmem:s17+$0x0];
	_ =	sdelay $0x6  }
0x21: {  	v2 =	vld.idx.msk [tilespmem:v0+s10+$0x0], $0xffff  }
0x22: {  	v3 =	vld.idx.msk [tilespmem:v1+s10+$0x0], $0xffff  }
0x23: {  	v4 =	vld.idx.msk [tilespmem:v1+s12+$0x0], $0xffff  }
0x24: {  	v5 =	vld.idx.msk [tilespmem:v0+s12+$0x0], $0xffff  }
0x25: {  	v6 =	vld.idx.msk [tilespmem:v1+s13+$0x0], $0xffff  }
0x26: {  	v7 =	vld.idx.msk [tilespmem:v0+s13+$0x0], $0xffff;
	_ =	sdelay $0x2  }
0x27: {  	s18 =	simm.s32 $0x10;
	v3 =	vsub.f32 v3, v2;
	v4 =	vsub.f32 v4, v5  }
0x28: {  	v0 =	vld [tilespmem:s18+$0x1400]  }
0x29: {  	v1 =	vld [tilespmem:s18+$0x0];
	v2 =	vsub.f32 v6, v7;
	v3 =	vmul.f32 v3, v3;
	v4 =	vmul.f32 v4, v4  }
0x2a: {  	s19 =	simm.s32 $0x80  }
.LBB2_2:
0x2b: {  	p0 =	sne.s32 s19, $0x4EC0;
	v3 =	vadd.f32 v4, v3;
	v2 =	vmul.f32 v2, v2;
	_ =	sdelay $0x1  }
0x2c: {  	v2 =	vadd.f32 v2, v3;
	_ =	sdelay $0x1  }
0x2d: {  	[tilespmem:s17+$0x9E80] =	vst v2;
	s17 =	smov.u32 s18  }
0x2e: {  	v2 =	vld.idx.msk [tilespmem:v0+s10+$0x0], $0xffff  }
0x2f: {  	v3 =	vld.idx.msk [tilespmem:v1+s10+$0x0], $0xffff  }
0x30: {  	v4 =	vld.idx.msk [tilespmem:v1+s12+$0x0], $0xffff  }
0x31: {  	v5 =	vld.idx.msk [tilespmem:v0+s12+$0x0], $0xffff  }
0x32: {  	v6 =	vld.idx.msk [tilespmem:v1+s13+$0x0], $0xffff  }
0x33: {  	v7 =	vld.idx.msk [tilespmem:v0+s13+$0x0], $0xffff;
	_ =	sdelay $0x2  }
.Ltmp0:
0x34: {  	(pc) =	sbr.rel @p0 .LBB2_2-.Ltmp0, $4  }
0x35: {  	s18 =	sshra.s32 s19, $0x2;
	v3 =	vsub.f32 v3, v2;
	v4 =	vsub.f32 v4, v5  }
0x36: {  	v0 =	vld [tilespmem:s18+$0x1400]  }
0x37: {  	v3 =	vmul.f32 v3, v3;
	v2 =	vsub.f32 v6, v7;
	v4 =	vmul.f32 v4, v4;
	v1 =	vld [tilespmem:s18+$0x0]  }
0x38: {  	s19 =	sadd.s32 $0x40, s19  }
0x39: {  	_ = 	snop  }
0x3a: {  	v3 =	vadd.f32 v4, v3;
	v2 =	vmul.f32 v2, v2;
	_ =	sdelay $0x1  }
0x3b: {  	v2 =	vadd.f32 v2, v3;
	_ =	sdelay $0x1  }
0x3c: {  	[tilespmem:s17+$0x9E80] =	vst v2  }
0x3d: {  	v2 =	vld.idx.msk [tilespmem:v0+s10+$0x0], $0xffff  }
0x3e: {  	v57 =	vld.idx.msk [tilespmem:v1+s10+$0x0], $0xffff  }
0x3f: {  	v58 =	vld.idx.msk [tilespmem:v1+s12+$0x0], $0xffff  }
0x40: {  	v5 =	vld.idx.msk [tilespmem:v0+s12+$0x0], $0xffff  }
0x41: {  	v59 =	vld.idx.msk [tilespmem:v1+s13+$0x0], $0xffff  }
0x42: {  	v60 =	vld.idx.msk [tilespmem:v0+s13+$0x0], $0xffff;
	_ =	sdelay $0x2  }
0x43: {  	v2 =	vsub.f32 v57, v2;
	v61 =	vsub.f32 v58, v5;
	_ =	sdelay $0x1  }
0x44: {  	v0 =	vsub.f32 v59, v60;
	v62 =	vmul.f32 v2, v2;
	v63 =	vmul.f32 v61, v61;
	_ =	sdelay $0x1  }
0x45: {  	v0 =	vmul.f32 v0, v0;
	v1 =	vadd.f32 v63, v62;
	_ =	sdelay $0x1  }
0x46: {  	s16 =	sadd.s32 $0x1, s16;
	v0 =	vadd.f32 v0, v1  }
0x47: {  	p0 =	sne.s32 s16, s9  }
.Ltmp1:
0x48: {  	[tilespmem:s18+$0x9E80] =	vst v0;
	(pc) =	sbr.rel @p0 .LBB2_1-.Ltmp1, $4  }
0x49: {  	[hbm4b:s8+s2] =	stream.linear.scatter [tilespmem:s15], [sflag:$0x1], $0x13C0, $0x38;
	[tilespmem:$0xB280] =	vst v63  }
0x4a: {  	_ =	swait.ge [sflag:s11], $0x13C0  }
0x4b: {  	[sflag:s11] =	ssyncset.done $0x0  }
0x4c: {  	[sflag:s11] =	ssyncadd.s32 $0xFFFFEC40  }
0x4d: {  	_ =	sfence.sel $0x180000  }
0x4e: {  	[bflag:$0x0] =	sbarrier.arrive $0xFFFF  }
0x4f: {  	p0 =	sne.s32 s0, $0x0;
	_ =	strace $0x90000047  }
0x50: {  	s0 =	sadd.s32 @!p0 $0x100000, s1;
	[bflag:$0x2] =	sbarrier.arrive $0xFFFF  }
0x51: {  	[sflag:s0] =	ssyncadd.tile.s32 @!p0 $0x1;
	_ =	shalt  }
.Lfunc_end2:
_tile_overlayer_lowered:
.L_overlay_start_2:
0x52: {  	(tag) =	ssettag $0x2  }
0x53: {  	s0 =	rddreg [dreg:$0x0];
	s2 =	stileid.u32  }
0x54: {  	s1 =	rddreg [dreg:$0x1];
	p0 =	sne.s32 s2, $0x0  }
0x55: {  	s3 =	rddreg [dreg:$0x2];
	[bflag:$0x3] =	sbarrier.arrive $0xFFFF;
	s2 =	simm.s32 @!p0 $0x1C01  }
0x56: {  	[timem:s3], [sflag:s2] =	dma.local @!p0 [hbm:s0], s1  }
0x57: {  	s0 =	simm.s32 @!p0 $0x1  }
0x58: {  	_ =	swait.ge @!p0 [sflag:s0], s1  }
0x59: {  	s1 =	ssub.s32 @!p0 $0x0, s1;
	[sflag:s0] =	ssyncset.done @!p0 $0x0  }
0x5a: {  	[sflag:s0] =	ssyncadd.s32 @!p0 s1  }
0x5b: {  	[bflag:$0x3] =	sbarrier.arrive $0xFFFF  }
0x5c: {  	_ =	shalt  }

// kernel: scatter_offload_async_start
scs
__scs_entry_jumppad:
0x0: {  	(pc) =	sbr.rel $0x88, $3  }
0x1: {  	(tag) =	ssettag $0x0;
	lr =	simm.s32 $0x1  }
0x2: {  	[smem:$0x3F94] =	sst lr;
	_ =	strace $0xD0000000  }
0x3: {  	_ = 	snop  }
0x4: {  	_ = 	snop  }
0x5: {  	_ = 	snop  }
0x6: {  	_ = 	snop  }
0x7: {  	_ = 	snop  }
__scs_overlays_trampoline_lowered:
0x8: {  	[smem:$0x3FA3] =	sst s0  }
0x9: {  	[smem:$0x3FA4] =	sst s1  }
0xa: {  	[smem:$0x3FA5] =	sst s2  }
0xb: {  	[smem:$0x3FA6] =	sst s3  }
0xc: {  	[smem:$0x3FA7] =	sst s4  }
0xd: {  	[smem:$0x3FA8] =	sst s5  }
0xe: {  	[smem:$0x3FA9] =	sst s6  }
0xf: {  	[smem:$0x3FAA] =	sst s7  }
0x10: {  	[smem:$0x3FAB] =	sst s8  }
0x11: {  	[smem:$0x3FAC] =	sst s9;
	s0 =	simm.s32 @!p0 $0x0  }
0x12: {  	s1 =	sld [smem:$0x3F92];
	s0 =	simm.s32 @p0 $0x1  }
0x13: {  	[smem:$0x3FAD] =	sst s0;
	s0 =	simm.s32 @!p1 $0x0  }
0x14: {  	s2 =	sld [smem:$0x3F91];
	s0 =	simm.s32 @p1 $0x1  }
0x15: {  	[smem:$0x3FAE] =	sst s0;
	s0 =	simm.s32 @!p2 $0x0  }
0x16: {  	s3 =	sld [smem:$0x3FDB];
	s0 =	simm.s32 @p2 $0x1  }
0x17: {  	s4 =	simm.s32 $0x1BF5;
	[smem:$0x3FB0] =	sst s0  }
0x18: {  	s0 =	sld [smem:$0x3F93];
	_ =	swait.ge [sflag:s4], $0x0  }
0x19: {  	s7 =	sld [smem:$0x3F94]  }
0x1a: {  	s8 =	sadd.s32 $0xFFFFE003, lr  }
0x1b: {  	s9 =	sadd.s32 $0xFFFFFEF7, lr;
	s5 =	simm.s32 $0xFFFFFFFF;
	p2 =	slt.u32 s8, $0xFFFFF086  }
0x1c: {  	p1 =	slt.u32 s9, $0xF7A;
	s5 =	simm.s32 @!p2 $0x0  }
0x1d: {  	s5 =	simm.s32 @p1 $0x1;
	p0 =	seq.s32 s7, s2  }
0x1e: {  	s7 =	smul.u32 @!p0 $0xF7A, s2;
	p2 =	seq.s32 @!p0 s5, $0x0  }
0x1f: {  	s9 =	smul.u32 $0xF7A, s1;
	s8 =	simm.s32 @!p0 $0x1BF5;
	p2 =	por !p2, p0  }
0x20: {  	[sflag:s8] =	ssyncset.s32 @!p0 $0xFFFFF086;
	s6 =	sadd.s32 @!p0 s3, s7;
	s7 =	simm.s32 @!p0 $0x108  }
0x21: {  	s3 =	sadd.s32 s3, s9;
	s6 =	sadd.s32 @!p0 $0x88, s6;
	s7 =	simm.s32 @p2 $0x1082  }
0x22: {  	[simem:s7], [sflag:s8] =	dma.local @!p0 [hbm:s6], $0xF7A  }
0x23: {  	s9 =	sor.u32 $0xD0000000, s2;
	s6 =	simm.s32 $0x108;
	_ =	swait.ge @!p0 [sflag:s8], $0x0  }
0x24: {  	s3 =	sadd.s32 $0x88, s3;
	s6 =	simm.s32 @!p1 $0x1082;
	[sflag:s4] =	ssyncset.s32 $0xFFFFF086  }
0x25: {  	[simem:s6], [sflag:s4] =	dma.local [hbm:s3], $0xF7A  }
0x26: {  	[smem:$0x3F94] =	sst s1;
	(tag) =	ssettag s2;
	_ =	strace s9  }
0x27: {  	s1 =	sld [smem:$0x3FA4]  }
0x28: {  	s2 =	sld [smem:$0x3FA5]  }
0x29: {  	s4 =	sld [smem:$0x3FA7]  }
0x2a: {  	p0 =	seq.s32 s5, $0x0;
	s5 =	sld [smem:$0x3FA8]  }
0x2b: {  	s6 =	sld [smem:$0x3FA9]  }
0x2c: {  	s7 =	sld [smem:$0x3FAA]  }
0x2d: {  	s3 =	simm.s32 $0x108;
	s8 =	sld [smem:$0x3FAB]  }
0x2e: {  	s3 =	simm.s32 @!p0 $0x1082;
	s9 =	sld [smem:$0x3FAC]  }
0x2f: {  	lr =	sadd.s32 s0, s3;
	s0 =	sld [smem:$0x3FA3]  }
0x30: {  	s3 =	sld [smem:$0x3FA6]  }
0x31: {  	[smem:$0x3FAF] =	sst s10  }
0x32: {  	s10 =	sld [smem:$0x3FAD];
	_ =	sdelay $0x3  }
0x33: {  	p0 =	seq.s32 s10, $0x1;
	s10 =	sld [smem:$0x3FAF];
	_ =	sdelay $0x3  }
0x34: {  	[smem:$0x3FAF] =	sst s10  }
0x35: {  	s10 =	sld [smem:$0x3FAE];
	_ =	sdelay $0x3  }
0x36: {  	p1 =	seq.s32 s10, $0x1;
	s10 =	sld [smem:$0x3FAF];
	_ =	sdelay $0x3  }
0x37: {  	[smem:$0x3FAF] =	sst s10  }
0x38: {  	s10 =	sld [smem:$0x3FB0]  }
0x39: {  	_ = 	snop;
	(pc) =	sbr.ind lr, $3  }
0x3a: {  	_ = 	snop  }
0x3b: {  	_ = 	snop  }
0x3c: {  	p2 =	seq.s32 s10, $0x1;
	s10 =	sld [smem:$0x3FAF]  }
0x3d: {  	_ =	shalt  }
0x3e: {  	_ =	shalt  }
0x3f: {  	_ =	shalt  }
0x40: {  	_ =	shalt  }
0x41: {  	_ =	shalt  }
0x42: {  	_ =	shalt  }
0x43: {  	_ =	shalt  }
0x44: {  	_ =	shalt  }
0x45: {  	_ =	shalt  }
0x46: {  	_ =	shalt  }
0x47: {  	_ =	shalt  }
0x48: {  	_ =	shalt  }
0x49: {  	_ =	shalt  }
0x4a: {  	_ =	shalt  }
0x4b: {  	_ =	shalt  }
0x4c: {  	_ =	shalt  }
0x4d: {  	_ =	shalt  }
0x4e: {  	_ =	shalt  }
0x4f: {  	_ =	shalt  }
0x50: {  	_ =	shalt  }
0x51: {  	_ =	shalt  }
0x52: {  	_ =	shalt  }
0x53: {  	_ =	shalt  }
0x54: {  	_ =	shalt  }
0x55: {  	_ =	shalt  }
0x56: {  	_ =	shalt  }
0x57: {  	_ =	shalt  }
0x58: {  	_ =	shalt  }
0x59: {  	_ =	shalt  }
0x5a: {  	_ =	shalt  }
0x5b: {  	_ =	shalt  }
0x5c: {  	_ =	shalt  }
0x5d: {  	_ =	shalt  }
0x5e: {  	_ =	shalt  }
0x5f: {  	_ =	shalt  }
0x60: {  	_ =	shalt  }
0x61: {  	_ =	shalt  }
0x62: {  	_ =	shalt  }
0x63: {  	_ =	shalt  }
0x64: {  	_ =	shalt  }
0x65: {  	_ =	shalt  }
0x66: {  	_ =	shalt  }
0x67: {  	_ =	shalt  }
0x68: {  	_ =	shalt  }
0x69: {  	_ =	shalt  }
0x6a: {  	_ =	shalt  }
0x6b: {  	_ =	shalt  }
0x6c: {  	_ =	shalt  }
0x6d: {  	_ =	shalt  }
0x6e: {  	_ =	shalt  }
0x6f: {  	_ =	shalt  }
0x70: {  	_ =	shalt  }
0x71: {  	_ =	shalt  }
0x72: {  	_ =	shalt  }
0x73: {  	_ =	shalt  }
0x74: {  	_ =	shalt  }
0x75: {  	_ =	shalt  }
0x76: {  	_ =	shalt  }
0x77: {  	_ =	shalt  }
0x78: {  	_ =	shalt  }
0x79: {  	_ =	shalt  }
0x7a: {  	_ =	shalt  }
0x7b: {  	_ =	shalt  }
0x7c: {  	_ =	shalt  }
0x7d: {  	_ =	shalt  }
0x7e: {  	_ =	shalt  }
0x7f: {  	_ =	shalt  }
0x80: {  	_ =	shalt  }
0x81: {  	_ =	shalt  }
0x82: {  	_ =	shalt  }
0x83: {  	_ =	shalt  }
0x84: {  	_ =	shalt  }
0x85: {  	_ =	shalt  }
0x86: {  	_ =	shalt  }
0x87: {  	_ =	shalt  }
.Lfunc_end0:
.L_simem_size_0:
called_computation_lowered:
.L_overlay_start_0:
0x88: {  	s2 =	sld [smem:$0x3FD9]  }
0x89: {  	s3 =	sld [smem:$0x3FFE];
	_ =	sdelay $0x1  }
0x8a: {  	s1 =	srdreg.scid  }
0x8b: {  	s0 =	sand.u32 $0x1, s1  }
0x8c: {  	s16 =	sshll.u32 s0, $0xA;
	s2 =	sadd.s32 s3, s2  }
0x8d: {  	s2 =	sadd.s32 s2, s16  }
0x8e: {  	[smem:$0x3FBB] =	sst s2  }
0x8f: {  	_ = 	snop  }
0x90: {  	s2 =	sld [smem:$0x3FD0];
	(tm) =	ssettm $0x1  }
0x91: {  	s17 =	sld [smem:$0x3FFB];
	_ =	sdelay $0x3  }
0x92: {  	_ =	strace s17  }
0x93: {  	s3 =	sld [smem:$0x3FFC];
	_ =	sdelay $0x3  }
0x94: {  	_ =	strace s3  }
0x95: {  	s3 =	sld [smem:$0x3FFD];
	_ =	sdelay $0x3  }
0x96: {  	_ =	strace s3  }
0x97: {  	_ =	strace $0x8FFFFFFF  }
0x98: {  	s18 =	sld [smem:$0x3FDB];
	_ =	sdelay $0x1  }
0x99: {  	s4 =	simm.s32 $_scs_section_size  }
0x9a: {  	s5 =	simm.s32 $_size__tile_overlayer_lowered;
	s6 =	simm.s32 $_tile_overlayer_lowered  }
0x9b: {  	s21 =	simm.s32 $0x1BFF;
	s20 =	sshll.u32 s6, $0x1;
	s3 =	sadd.s32 s4, s18  }
0x9c: {  	s7 =	simm.s32 $0x0;
	s19 =	sshll.u32 s5, $0x1;
	s5 =	sadd.s32 s20, s3  }
0x9d: {  	[timem:s7], [sflag:s21] =	dma.local [hbm:s5], s19  }
0x9e: {  	_ =	swait.ge [sflag:s21], s19  }
0x9f: {  	s4 =	ssub.s32 $0x0, s19;
	[sflag:s21] =	ssyncset.done $0x0  }
0xa0: {  	[sflag:s21] =	ssyncadd.s32 s4;
	_ =	sdelay $0x1  }
0xa1: {  	s22 =	simm.s32 $0x1B8B  }
0xa2: {  	_ =	swait.ge [sflag:s22], $0x1  }
0xa3: {  	[sflag:s22] =	ssyncset.done $0x0  }
0xa4: {  	s23 =	sld [smem:$0x3FFE];
	[sflag:s22] =	ssyncadd.s32 $0xFFFFFFFF  }
0xa5: {  	s25 =	simm.s32 $0x1B8E;
	s24 =	sld [smem:$0x0]  }
0xa6: {  	s26 =	simm.s32 $execute0_lowered;
	[smem:$0x3FD2] =	sst s25  }
0xa7: {  	s6 =	sshll.u32 s26, $0x1;
	_ =	strace $0x8000004C;
	[dreg:$0x1] =	wrdreg $0xFFFFFFFF  }
0xa8: {  	s28 =	simm.s32 $_size_execute0_lowered;
	s3 =	sadd.s32 s3, s6;
	[dreg:$0x0] =	wrdreg $0x0  }
0xa9: {  	s6 =	sshll.u32 s28, $0x1;
	[dreg:$0x2] =	wrdreg s3  }
0xaa: {  	[dreg:$0x3] =	wrdreg s6  }
0xab: {  	[dreg:$0x4] =	wrdreg $0xC0  }
0xac: {  	_ =	task [dreg:s7], $0x5FFFF  }
0xad: {  	[dreg:$0x1] =	wrdreg $0xFFFFFFFF  }
0xae: {  	[dreg:$0x0] =	wrdreg $0x60  }
0xaf: {  	[dreg:$0x2] =	wrdreg s2  }
0xb0: {  	[dreg:$0x3] =	wrdreg s23  }
0xb1: {  	[dreg:$0x4] =	wrdreg s1  }
0xb2: {  	[dreg:$0x5] =	wrdreg s24  }
0xb3: {  	[dreg:$0x6] =	wrdreg $0x9  }
0xb4: {  	_ =	task.clear_ibuf [dreg:s7], $0x7FFFF;
	_ =	strace $0x9000004C  }
0xb5: {  	s29 =	simm.s32 $0x9;
	_ =	strace $0x8000004E  }
0xb6: {  	_ =	swait.ge [sflag:s29], $0x1  }
0xb7: {  	[sflag:s29] =	ssyncadd.s32 $0xFFFFFFFF  }
0xb8: {  	_ =	strace $0x9000004E  }
0xb9: {  	_ =	sfence  }
0xba: {  	s30 =	sld [smem:$0x0];
	_ =	sdelay $0x2  }
0xbb: {  	s31 =	sshll.u32 s1, $0xD;
	s1 =	sshrl.u32 s1, $0x2  }
0xbc: {  	s3 =	sand.u32 $0x4000, s31;
	s1 =	sadd.s32 s1, s30  }
0xbd: {  	s0 =	sor.u32 s3, s0;
	s1 =	sshll.u32 s1, $0x11  }
0xbe: {  	s0 =	sor.u32 s1, s0  }
0xbf: {  	s0 =	sadd.s32 $0x8F2B, s0  }
0xc0: {  	[sflag:s0] =	ssyncadd.remote.s32 $0x1  }
0xc1: {  	_ =	sfence.sel $0xFFFF  }
0xc2: {  	[dreg:$0x0] =	wrdreg $0xFFFFFFFF;
	(pc) =	sbr.abs _section_cstart, $3  }
0xc3: {  	[dreg:$0x1] =	wrdreg $0xFFFFFFFF  }
0xc4: {  	_ =	task.clear_ibuf [dreg:s7], $0x2FFFF;
	_ =	strace $0x9FFFFFFF  }
0xc5: {  	(tm) =	ssettm $0x7FFFFFFF  }
tec
execute0_lowered:
.L_overlay_start_1:
0x0: {  	(tag) =	ssettag $0x1  }
0x1: {  	s1 =	rddreg [dreg:$0x0]  }
0x2: {  	s2 =	rddreg [dreg:$0x1]  }
0x3: {  	s3 =	rddreg [dreg:$0x2];
	_ =	strace $0x8000004D;
	s0 =	simm.s32 $0x1  }
0x4: {  	s5 =	simm.s32 $0x208;
	v0 =	vimm.s32 $0x0;
	[sflag:s0] =	ssyncpa.u1 $0x0  }
0x5: {  	[tilespmem:s5+$0x70] =	vst v0  }
0x6: {  	[tilespmem:s5+$0x60] =	vst v0  }
0x7: {  	[tilespmem:s5+$0x50] =	vst v0  }
0x8: {  	[tilespmem:s5+$0x40] =	vst v0  }
0x9: {  	[tilespmem:s5+$0x30] =	vst v0  }
0xa: {  	s0 =	sadd.s32 $0x50A200, s2;
	s6 =	sadd.s32 $0x514200, s2;
	[tilespmem:s5+$0x20] =	vst v0  }
0xb: {  	s4 =	sadd.s32 $0x50F200, s2;
	s10 =	sand.u32 $0x1, s3;
	s2 =	simm.s32 $0x40;
	[tilespmem:s5+$0x10] =	vst v0  }
.LBB2_1:
0xc: {  	s2 =	sadd.s32 $0x40, s2;
	[tilespmem:s5+$0x0] =	vst v0;
	s5 =	sadd.s32 $0x80, s5  }
0xd: {  	p0 =	slt.u32 s2, $0x3880;
	[tilespmem:s5+$0x70] =	vst v0  }
0xe: {  	[tilespmem:s5+$0x60] =	vst v0  }
.Ltmp0:
0xf: {  	[tilespmem:s5+$0x50] =	vst v0;
	(pc) =	sbr.rel @p0 .LBB2_1-.Ltmp0, $4  }
0x10: {  	[tilespmem:s5+$0x40] =	vst v0  }
0x11: {  	[tilespmem:s5+$0x30] =	vst v0  }
0x12: {  	[tilespmem:s5+$0x20] =	vst v0  }
0x13: {  	[tilespmem:s5+$0x10] =	vst v0  }
0x14: {  	s11 =	stileid.u32  }
0x15: {  	s2 =	smul.u32 $0x2D, s11  }
0x16: {  	s3 =	smin.u32 s11, $0x3  }
0x17: {  	s2 =	sadd.s32 s3, s2  }
0x18: {  	p0 =	slt.u32 s11, $0x3;
	s20 =	smul.u32 $0x70, s2;
	s2 =	simm.s32 $0x1420  }
0x19: {  	s2 =	simm.s32 @!p0 $0x13B0  }
0x1a: {  	s2 =	sadd.s32 s2, s20  }
0x1b: {  	s8 =	smin.u32 s2, $0x13C00  }
0x1c: {  	s26 =	simm.s32 $0x2;
	s2 =	ssub.s32 s8, s20  }
0x1d: {  	s9 =	simm.s32 $0x9;
	s29 =	simm.s32 $0xA;
	p0 =	sgt.s32 s2, $0x0  }
0x1e: {  	s30 =	simm.s32 $0xB;
	s31 =	smul.u32 $0x2780, s10;
	s2 =	simm.s32 @!p0 $0x0  }
0x1f: {  	[dreg:$0x5] =	wrdreg s10;
	s12 =	simm.s32 $0x1;
	s25 =	smulhi.u32 $0x92492493, s2  }
0x20: {  	s24 =	simm.s32 $0x0;
	p1 =	por $0x0, $0x0;
	s18 =	simm.s32 $0x80  }
0x21: {  	s19 =	simm.s32 $0x400;
	s17 =	simm.s32 $0xC;
	s3 =	sshrl.u32 s25, $0x6  }
0x22: {  	s21 =	simm.s32 $0x0;
	s23 =	simm.s32 $0x0;
	s28 =	smul.u32 $0x70, s3  }
.Ltmp1:
0x23: {  	[tilespmem:s5+$0x0] =	vst v0;
	v0 =	vimm.s32 $0xFFFFFFFF;
	[sflag:s26] =	ssyncpa.u1 $0x0;
	s16 =	sshll.u32 s11, $0x9;
	(pc) =	sbr.rel .LBB2_3-.Ltmp1, $4  }
0x24: {  	[tilespmem:$0xE408] =	vst v0;
	[sflag:s9] =	ssyncpa.u1 $0x0;
	p0 =	sne.s32 s2, s28;
	s2 =	simm.s32 $0x1  }
0x25: {  	s14 =	sadd.s32 s31, s4;
	[sflag:s29] =	ssyncpa.u1 $0x0;
	s2 =	simm.s32 @!p0 $0x0  }
0x26: {  	s15 =	sadd.s32 s31, s0;
	[sflag:s30] =	ssyncpa.u1 $0x0;
	s13 =	sadd.s32 s2, s3  }
0x27: {  	v0 =	vlaneseq.u32;
	s22 =	smov.u32 s20;
	p0 =	por $0x1, $0x1;
	s11 =	sadd.s32 $0x1, s13  }
.LBB2_24:
0x28: {  	s2 =	sshrl.u32 s4, $0x2  }
.LBB2_26:
0x29: {  	_ =	swait.ge [sflag:s17], s2  }
0x2a: {  	s31 =	ssub.s32 $0x0, s2;
	v1 =	vmov s26;
	vm0 =	veq.s32 v0, $0x0;
	[sflag:s17] =	ssyncset.done $0x0  }
0x2b: {  	vm15 =	veq.s32 v0, $0x2;
	v1 =	vsel vm0, s0, v1;
	[sflag:s17] =	ssyncadd.s32 s31  }
0x2c: {  	v1 =	vsel vm15, s24, v1;
	[sflag:s17] =	ssyncpa.u1 $0x1  }
0x2d: {  	[tilespmem:$0xE408] =	vst v1  }
.LBB2_27:
0x2e: {  	s0 =	sadd.s32 $0x70, s22  }
0x2f: {  	s2 =	smov.u32 s20;
	p2 =	slt.s32 s0, s8  }
0x30: {  	s2 =	smov.u32 @p2 s0;
	p2 =	sne.s32 s23, s11  }
.Ltmp2:
0x31: {  	_ = 	snop;
	(pc) =	sbr.rel @!p2 .LBB2_28-.Ltmp2, $4  }
0x32: {  	_ = 	snop  }
0x33: {  	s24 =	smov.u32 s21  }
0x34: {  	s31 =	sadd.s32 $0x1, s23;
	s21 =	smov.u32 s22;
	p0 =	por !p0, !p0  }
0x35: {  	p1 =	por !p1, !p1;
	s23 =	smov.u32 s31;
	s22 =	smov.u32 s2  }
.LBB2_3:
0x36: {  	p2 =	sge.u32 s23, s13  }
0x37: {  	s0 =	smulhi.u32 @!p2 $0xAAAAAAAB, s23  }
0x38: {  	s2 =	smov.u32 s22;
	p3 =	sgt.s32 @!p2 s22, $0x13B90  }
0x39: {  	s3 =	sshra.s32 @!p2 s22, $0x1F;
	p3 =	por !p3, p2;
	s0 =	sshrl.u32 @!p2 s0, $0x1  }
0x3a: {  	s3 =	sand.u32 @!p2 s3, s22;
	s2 =	simm.s32 @p3 $0x13B90;
	s0 =	smul.u32 @!p2 $0x3, s0  }
0x3b: {  	s2 =	ssub.s32 @!p2 s2, s3  }
0x3c: {  	s2 =	sadd.s32 @!p2 $0xFFFEC470, s2;
	s0 =	ssub.s32 @!p2 s23, s0  }
0x3d: {  	s3 =	sshll.u32 @!p2 s2, $0x2;
	p3 =	sgt.s32 @!p2 s2, $0x6F;
	s0 =	smul.u32 @!p2 $0x1C0, s0  }
0x3e: {  	s4 =	sand.u32 @!p2 $0x7, s22;
	s2 =	ssub.s32 @!p2 $0x1C0, s3;
	p3 =	por !p3, p2  }
0x3f: {  	s3 =	sshrl.u32 @!p2 s22, $0x3;
	s2 =	sshrl.u32 @!p2 s2, $0x2;
	s0 =	sshrl.u32 @!p2 s0, $0x2  }
0x40: {  	s3 =	sadd.s32 @!p2 s3, s14;
	s2 =	simm.s32 @!p3 $0x0;
	s0 =	sadd.s32 @!p2 $0x10448, s0  }
0x41: {  	[tilespmem:s0], [sflag:$0xA] =	stream.linear.gather @!p2 [hbm4b:s3+s4], s2, $0x38;
	[tilespmem:$0x1E678] =	vst v63  }
0x42: {  	s2 =	sadd.s32 $0xFFFFFFFF, s23  }
0x43: {  	p2 =	sge.u32 s2, s13  }
0x44: {  	p3 =	sgt.s32 @!p2 s21, $0x13B90  }
0x45: {  	s0 =	smov.u32 s21;
	s3 =	sshra.s32 @!p2 s21, $0x1F;
	p3 =	por !p3, p2  }
0x46: {  	s3 =	sand.u32 @!p2 s3, s21;
	s0 =	simm.s32 @p3 $0x13B90  }
0x47: {  	s0 =	ssub.s32 @!p2 s0, s3  }
0x48: {  	s0 =	sadd.s32 @!p2 $0xFFFEC470, s0  }
0x49: {  	s3 =	sshll.u32 @!p2 s0, $0x2  }
0x4a: {  	p3 =	sgt.s32 @!p2 s0, $0x6F;
	s0 =	ssub.s32 @!p2 $0x1C0, s3  }
0x4b: {  	p3 =	por !p3, p2;
	s0 =	sshrl.u32 @!p2 s0, $0x2  }
0x4c: {  	s4 =	simm.s32 @!p2 $0xA;
	s3 =	sand.u32 @!p2 $0x1, s2;
	s0 =	simm.s32 @!p3 $0x0  }
0x4d: {  	s3 =	smul.u32 @!p2 $0x1C0, s3;
	_ =	swait.ge @!p2 [sflag:s4], s0  }
0x4e: {  	s5 =	ssub.s32 @!p2 $0x0, s0;
	[sflag:s4] =	ssyncset.done @!p2 $0x0  }
0x4f: {  	s3 =	sshrl.u32 @!p2 s3, $0x2;
	[sflag:s4] =	ssyncadd.s32 @!p2 s5;
	s4 =	sshrl.u32 @!p2 s21, $0x3  }
0x50: {  	s3 =	sadd.s32 @!p2 $0x10598, s3;
	s5 =	sand.u32 @!p2 $0x7, s21;
	s4 =	sadd.s32 @!p2 s4, s15  }
0x51: {  	[tilespmem:s3], [sflag:$0xB] =	stream.linear.gather @!p2 [hbm4b:s4+s5], s0, $0x38;
	[tilespmem:$0x1E678] =	vst v63  }
0x52: {  	s0 =	ssub.s32 @!p2 $0x13C00, s21  }
0x53: {  	p3 =	slt.s32 @!p2 s0, $0x1  }
0x54: {  	p3 =	por p2, p3  }
.Ltmp3:
0x55: {  	_ = 	snop;
	(pc) =	sbr.rel @p3 .LBB2_9-.Ltmp3, $1  }
0x56: {  	_ =	sdelay $0x3  }
0x57: {  	s3 =	smulhi.u32 $0xAAAAAAAB, s2;
	_ =	sdelay $0x1  }
0x58: {  	s3 =	sshrl.u32 s3, $0x1  }
0x59: {  	s3 =	smul.u32 $0x3, s3;
	_ =	sdelay $0x1  }
0x5a: {  	s30 =	ssub.s32 s2, s3  }
0x5b: {  	s4 =	simm.s32 $0x1;
	s2 =	smul.u32 $0x1C0, s30  }
.Ltmp4:
0x5c: {  	s4 =	simm.s32 @!p0 $0x0;
	(pc) =	sbr.rel .LBB2_6-.Ltmp4, $4  }
0x5d: {  	s31 =	smul.u32 $0x1C000, s4  }
0x5e: {  	p3 =	slt.s32 @!p2 s0, $0x70;
	s2 =	sshrl.u32 s2, $0x2  }
0x5f: {  	p2 =	por !p3, p2;
	s3 =	sshrl.u32 s31, $0x2;
	s5 =	sadd.s32 $0x10448, s2  }
0x60: {  	s0 =	simm.s32 @p2 $0x70;
	s4 =	sor.u32 $0x10678, s3;
	s2 =	simm.s32 $0x0;
	v1 =	vmov s5  }
.LBB2_5:
0x61: {  	p2 =	sge.s32 s2, s0  }
.Ltmp5:
0x62: {  	_ = 	snop;
	(pc) =	sbr.rel @p2 .LBB2_9-.Ltmp5, $2  }
0x63: {  	_ =	sdelay $0x2  }
0x64: {  	s4 =	sadd.s32 $0x1000, s4  }
.LBB2_6:
0x65: {  	p2 =	sle.s32 s0, s2  }
.Ltmp6:
0x66: {  	_ = 	snop;
	(pc) =	sbr.rel @p2 .LBB2_5-.Ltmp6, $2  }
0x67: {  	_ =	sdelay $0x2  }
0x68: {  	s5 =	smov.u32 s2;
	s2 =	sadd.s32 $0x10, s2  }
0x69: {  	s3 =	ssub.s32 s0, s5  }
0x6a: {  	p2 =	slt.s32 s3, $0x10  }
0x6b: {  	s3 =	simm.s32 @!p2 $0x10  }
0x6c: {  	v2 =	vmov s3  }
0x6d: {  	vm0 =	vgt.s32 v2, v0;
	_ =	sdelay $0x5  }
0x6e: {  	v2 =	vld.idx.msk [tilespmem:v1+s5+$0x0 ss:$0x1], vm0;
	_ =	sdelay $0x2  }
0x6f: {  	p2 =	slt.s32 s2, s0;
	s3 =	smov.u32 s0  }
0x70: {  	s9 =	smov.u32 s4;
	s25 =	simm.s32 $0x0;
	s3 =	smov.u32 @p2 s2  }
.LBB2_8:
0x71: {  	(v2sf) =	vpush v2, s25;
	_ =	sdelay $0xe  }
0x72: {  	s25 =	sadd.s32 $0x1, s25;
	s10 =	spop (v2sf)  }
0x73: {  	s31 =	sadd.s32 s25, s5;
	s26 =	sshll.u32 s10, $0x8;
	s10 =	sshll.u32 s10, $0x7  }
0x74: {  	p2 =	slt.s32 s31, s3;
	s26 =	sand.u32 $0xFFFFF800, s26;
	s10 =	sand.u32 $0x380, s10  }
.Ltmp7:
0x75: {  	s10 =	sor.u32 s10, s26;
	(pc) =	sbr.rel @p2 .LBB2_8-.Ltmp7, $4  }
0x76: {  	s10 =	sshrl.u32 s10, $0x3  }
0x77: {  	s10 =	sadd.s32 s6, s10  }
0x78: {  	[tilespmem:s9], [sflag:$0x9] =	stream.strided.gather [hbm4b:s10+s18], $0x100, s19, s18, $0x38;
	[tilespmem:$0x1E678] =	vst v63  }
0x79: {  	s9 =	sadd.s32 $0x100, s9  }
.Ltmp8:
0x7a: {  	_ = 	snop;
	(pc) =	sbr.rel .LBB2_5-.Ltmp8, $1  }
0x7b: {  	_ =	sdelay $0x3  }
.LBB2_9:
0x7c: {  	p2 =	slt.u32 s23, $0x2  }
.Ltmp9:
0x7d: {  	_ = 	snop;
	(pc) =	sbr.rel @p2 .LBB2_27-.Ltmp9, $1  }
0x7e: {  	_ =	sdelay $0x3  }
0x7f: {  	p2 =	sgt.s32 s24, $0x13B90  }
0x80: {  	s0 =	smov.u32 s24;
	s2 =	sshra.s32 s24, $0x1F;
	s3 =	ssub.s32 $0x13C00, s24  }
0x81: {  	s0 =	simm.s32 @!p2 $0x13B90;
	s2 =	sand.u32 s2, s24;
	p2 =	slt.s32 s3, $0x70  }
0x82: {  	s0 =	ssub.s32 s0, s2;
	s3 =	simm.s32 @!p2 $0x70  }
0x83: {  	s0 =	sadd.s32 $0xFFFEC470, s0;
	s9 =	sshll.u32 s3, $0x8  }
0x84: {  	s26 =	simm.s32 $0x9;
	s10 =	sshll.u32 s0, $0x2;
	s2 =	sand.u32 $0x3FFFFF00, s9  }
0x85: {  	p2 =	sgt.s32 s0, $0x6F;
	s25 =	ssub.s32 $0x1C0, s10;
	_ =	swait.ge [sflag:s26], s2  }
0x86: {  	s2 =	ssub.s32 $0x0, s2;
	[sflag:s26] =	ssyncset.done $0x0;
	s0 =	sshrl.u32 s25, $0x2  }
0x87: {  	s29 =	simm.s32 $0xB;
	[sflag:s26] =	ssyncadd.s32 s2;
	s0 =	simm.s32 @p2 $0x0  }
0x88: {  	_ =	swait.ge [sflag:s29], s0  }
0x89: {  	s0 =	ssub.s32 $0x0, s0;
	[sflag:s29] =	ssyncset.done $0x0  }
0x8a: {  	[sflag:s29] =	ssyncadd.s32 s0  }
0x8b: {  	v1 =	vld [tilespmem:$0xE408];
	_ =	sdelay $0x4  }
0x8c: {  	(v2sf) =	vpush v1, $0x0  }
0x8d: {  	(v2sf) =	vpush v1, $0x1  }
0x8e: {  	(v2sf) =	vpush v1, $0x2;
	_ =	sdelay $0x3  }
0x8f: {  	s0 =	sadd.s32 $0x70, s24  }
0x90: {  	s2 =	ssub.s32 $0x27800, s24;
	p2 =	slt.s32 s8, s0  }
0x91: {  	s0 =	smov.u32 @p2 s8;
	p2 =	sgt.s32 s2, $0x0  }
0x92: {  	s0 =	ssub.s32 s0, s24;
	s2 =	simm.s32 @!p2 $0x0  }
0x93: {  	p2 =	slt.s32 s2, s0  }
0x94: {  	s0 =	smov.u32 @p2 s2  }
0x95: {  	s4 =	simm.s32 $0x1;
	p2 =	slt.s32 s0, $0x1  }
.Ltmp10:
0x96: {  	s4 =	simm.s32 @!p1 $0x0;
	(pc) =	sbr.rel @p2 .LBB2_14-.Ltmp10, $4  }
0x97: {  	s30 =	smul.u32 $0x1C0, s4  }
0x98: {  	s5 =	spop (v2sf)  }
0x99: {  	s31 =	sshrl.u32 s30, $0x2;
	s28 =	spop (v2sf)  }
0x9a: {  	s25 =	sadd.s32 $0x10598, s31;
	s24 =	spop (v2sf)  }
0x9b: {  	s2 =	smin.u32 s0, $0x10  }
0x9c: {  	v1 =	vmov s2  }
0x9d: {  	vm1 =	vgt.u32 v1, v0  }
0x9e: {  	p3 =	sgt.s32 s0, $0x10  }
.Ltmp11:
0x9f: {  	_ = 	snop;
	(pc) =	sbr.rel @!p3 .LBB2_13-.Ltmp11, $2  }
0xa0: {  	_ =	sdelay $0x2  }
0xa1: {  	s26 =	simm.s32 $0x10;
	s29 =	sadd.s32 $0xFFFFFFF0, s0;
	s2 =	smov.u32 s25;
	vm0 =	vmmov vm1;
	v1 =	vld.msk [tilespmem:s25+$0x0 ss:$0x1], vm1  }
.LBB2_12:
0xa2: {  	s3 =	smin.u32 s29, $0x10;
	s26 =	sadd.s32 $0x10, s26  }
0xa3: {  	v2 =	vmov s3;
	p3 =	slt.s32 s26, s0  }
0xa4: {  	vm1 =	vgt.u32 v2, v0;
	_ =	sdelay $0x1  }
0xa5: {  	v2 =	vshll.u32 v1, $0x5;
	v1 =	vshll.u32 v1, $0x4  }
.Ltmp12:
0xa6: {  	v2 =	vand.u32 $0xFFFFFF00, v2;
	v1 =	vand.u32 $0x70, v1;
	(pc) =	sbr.rel @p3 .LBB2_12-.Ltmp12, $4  }
0xa7: {  	v1 =	vor.u32 v1, v2  }
0xa8: {  	[tilespmem:s2+$0x0] =	vst.msk vm0, v1;
	s2 =	sadd.s32 $0x10, s2;
	vm0 =	vmmov vm1  }
0xa9: {  	v1 =	vld.msk [tilespmem:s2+$0x0 ss:$0x1], vm1  }
0xaa: {  	s29 =	sadd.s32 $0xFFFFFFF0, s29  }
.LBB2_13:
0xab: {  	_ =	sdelay $0x3  }
0xac: {  	v2 =	vshll.u32 v1, $0x5;
	v1 =	vshll.u32 v1, $0x4  }
0xad: {  	v2 =	vand.u32 $0xFFFFFF00, v2;
	v1 =	vand.u32 $0x70, v1  }
0xae: {  	v1 =	vor.u32 v1, v2  }
0xaf: {  	[tilespmem:s2+$0x0] =	vst.msk vm0, v1  }
.LBB2_14:
0xb0: {  	s2 =	sand.u32 $0x1, s23  }
0xb1: {  	s2 =	smul.u32 $0x70, s2  }
0xb2: {  	p3 =	sne.s32 s28, $0xFFFFFFFF  }
0xb3: {  	v1 =	vld.msk @!p3 [tilespmem:s2+$0x10598], $0x1;
	_ =	sdelay $0x4  }
0xb4: {  	(v2sf) =	vpush @!p3 v1, $0x0;
	_ =	sdelay $0xc  }
.Ltmp13:
0xb5: {  	_ = 	snop;
	(pc) =	sbr.rel @p2 .LBB2_25-.Ltmp13, $4  }
0xb6: {  	_ = 	snop  }
0xb7: {  	s31 =	spop @!p3 (v2sf)  }
0xb8: {  	s24 =	simm.s32 @!p3 $0x0;
	s26 =	smov.u32 s31  }
0xb9: {  	[sflag:s17] =	ssyncpa.u1 $0x0;
	s31 =	smov.u32 @p3 s5;
	s26 =	smov.u32 @p3 s28  }
0xba: {  	v1 =	vld.msk [tilespmem:s25+$0x0], $0x1;
	_ =	sdelay $0x4  }
0xbb: {  	(v2sf) =	vpush v1, $0x0;
	_ =	sdelay $0xe  }
0xbc: {  	s7 =	smov.u32 s11;
	s5 =	spop (v2sf)  }
0xbd: {  	s17 =	smov.u32 s15;
	s2 =	smul.u32 $0x1C000, s4;
	p2 =	seq.s32 s31, s5  }
0xbe: {  	s3 =	smov.u32 s31;
	s29 =	ssub.s32 $0x0, s0;
	p3 =	sgt.s32 @!p2 s31, $0x0  }
0xbf: {  	s30 =	simm.s32 $0x0;
	s2 =	sshrl.u32 s2, $0x2;
	p3 =	por !p3, p2  }
0xc0: {  	s0 =	sadd.s32 $0x1, s29;
	s28 =	sor.u32 $0x106F8, s2;
	s3 =	simm.s32 @p3 $0x0  }
0xc1: {  	s2 =	simm.s32 @!p2 $0x1;
	p3 =	seq.s32 s0, $0x0;
	s3 =	smin.u32 @!p2 s3, $0x4E170  }
.Ltmp14:
0xc2: {  	s4 =	simm.s32 @!p2 $0x7308;
	s9 =	sand.u32 @!p2 $0x7FFF8, s3;
	(pc) =	sbr.rel @p3 .LBB2_17-.Ltmp14, $4  }
0xc3: {  	s10 =	sadd.s32 @!p2 $0x80, s3;
	s11 =	sadd.s32 @!p2 s1, s9;
	s9 =	sand.u32 @!p2 $0x7, s3  }
0xc4: {  	[tilespmem:s4], [sflag:$0x2] =	stream.linear.gather @!p2 [hbm4b:s11+s9], $0x80, $0x38;
	[tilespmem:$0x1E678] =	vst v63  }
0xc5: {  	s15 =	smov.u32 s14;
	s2 =	smov.u32 @p2 s30;
	s4 =	sand.u32 @!p2 $0xFFFF8, s10  }
0xc6: {  	s3 =	simm.s32 @!p2 $0x7388;
	s10 =	sadd.s32 @!p2 s1, s4;
	s4 =	sadd.s32 $0x1, s25  }
.LBB2_16:
0xc7: {  	s11 =	smov.u32 s2  }
0xc8: {  	[tilespmem:s3], [sflag:$0x2] =	stream.linear.gather @!p2 [hbm4b:s10+s9], $0x80, $0x38;
	[tilespmem:$0x1E678] =	vst v63  }
0xc9: {  	s0 =	sadd.s32 $0x1, s0;
	s9 =	smov.u32 s5;
	v1 =	vld.msk [tilespmem:s4+$0x0], $0x1  }
0xca: {  	p3 =	seq.s32 s0, $0x0;
	_ =	sdelay $0x3  }
0xcb: {  	(v2sf) =	vpush v1, $0x0;
	_ =	sdelay $0xe  }
0xcc: {  	s5 =	spop (v2sf)  }
0xcd: {  	p2 =	seq.s32 s9, s5  }
0xce: {  	p4 =	sgt.s32 @!p2 s9, $0x0;
	s3 =	sshll.u32 @!p2 s2, $0xA;
	s2 =	sadd.s32 @!p2 $0x1, s2  }
0xcf: {  	p4 =	por !p4, p2;
	s3 =	sshra.s32 @!p2 s3, $0x2;
	s2 =	smov.u32 @p2 s11  }
0xd0: {  	s9 =	simm.s32 @p4 $0x0;
	s10 =	sadd.s32 @!p2 $0x7308, s3;
	s3 =	sadd.s32 @!p2 $0x7388, s3  }
.Ltmp15:
0xd1: {  	s9 =	smin.u32 @!p2 s9, $0x4E170;
	(pc) =	sbr.rel @!p3 .LBB2_16-.Ltmp15, $4  }
0xd2: {  	s11 =	sand.u32 @!p2 $0x7FFF8, s9;
	s14 =	sadd.s32 @!p2 $0x80, s9  }
0xd3: {  	s9 =	sand.u32 @!p2 $0x7, s9;
	s11 =	sadd.s32 @!p2 s1, s11;
	s14 =	sand.u32 @!p2 $0xFFFF8, s14  }
0xd4: {  	[tilespmem:s10], [sflag:$0x2] =	stream.linear.gather @!p2 [hbm4b:s11+s9], $0x80, $0x38;
	[tilespmem:$0x1E678] =	vst v63  }
0xd5: {  	s4 =	sadd.s32 $0x1, s4;
	s10 =	sadd.s32 @!p2 s1, s14  }
.LBB2_17:
0xd6: {  	[tilespmem:s3], [sflag:$0x2] =	stream.linear.gather @!p2 [hbm4b:s10+s9], $0x80, $0x38;
	[tilespmem:$0x1E678] =	vst v63  }
0xd7: {  	s0 =	sshll.u32 s2, $0x8  }
.Ltmp16:
0xd8: {  	s14 =	simm.s32 $0x2;
	s0 =	sand.u32 $0x3FFFFF00, s0;
	(pc) =	sbr.rel .LBB2_18-.Ltmp16, $4  }
0xd9: {  	_ =	swait.ge [sflag:s14], s0  }
0xda: {  	s0 =	ssub.s32 $0x0, s0;
	[sflag:s14] =	ssyncset.done $0x0  }
0xdb: {  	s4 =	simm.s32 $0x0;
	s11 =	smov.u32 s7;
	[sflag:s14] =	ssyncadd.s32 s0  }
0xdc: {  	s14 =	smov.u32 s15;
	s15 =	smov.u32 s17;
	s17 =	simm.s32 $0xC  }
.LBB2_19:
0xdd: {  	v1 =	vld [tilespmem:s28+$0xFFFFFF80];
	_ =	sdelay $0x4  }
0xde: {  	[tilespmem:s5+$0x208] =	vst.add.f32.msk $0xffff, v1  }
0xdf: {  	v1 =	vld [tilespmem:s28+$0xFFFFFF90];
	_ =	sdelay $0x4  }
0xe0: {  	[tilespmem:s5+$0x218] =	vst.add.f32.msk $0xffff, v1  }
0xe1: {  	v1 =	vld [tilespmem:s28+$0xFFFFFFA0];
	_ =	sdelay $0x4  }
0xe2: {  	[tilespmem:s5+$0x228] =	vst.add.f32.msk $0xffff, v1  }
0xe3: {  	v1 =	vld [tilespmem:s28+$0xFFFFFFB0];
	_ =	sdelay $0x4  }
0xe4: {  	[tilespmem:s5+$0x238] =	vst.add.f32.msk $0xffff, v1  }
0xe5: {  	v1 =	vld [tilespmem:s28+$0xFFFFFFC0];
	_ =	sdelay $0x4  }
0xe6: {  	[tilespmem:s5+$0x248] =	vst.add.f32.msk $0xffff, v1  }
0xe7: {  	v1 =	vld [tilespmem:s28+$0xFFFFFFD0];
	_ =	sdelay $0x4  }
0xe8: {  	[tilespmem:s5+$0x258] =	vst.add.f32.msk $0xffff, v1  }
0xe9: {  	v1 =	vld [tilespmem:s28+$0xFFFFFFE0];
	_ =	sdelay $0x4  }
0xea: {  	[tilespmem:s5+$0x268] =	vst.add.f32.msk $0xffff, v1  }
0xeb: {  	v1 =	vld [tilespmem:s28+$0xFFFFFFF0];
	_ =	sdelay $0x4  }
0xec: {  	[tilespmem:s5+$0x278] =	vst.add.f32.msk $0xffff, v1  }
0xed: {  	v1 =	vld [tilespmem:s28+$0x0];
	_ =	sdelay $0x4  }
0xee: {  	[tilespmem:s5+$0x288] =	vst.add.f32.msk $0xffff, v1  }
0xef: {  	v1 =	vld [tilespmem:s28+$0x10];
	_ =	sdelay $0x4  }
0xf0: {  	[tilespmem:s5+$0x298] =	vst.add.f32.msk $0xffff, v1  }
0xf1: {  	v1 =	vld [tilespmem:s28+$0x20];
	_ =	sdelay $0x4  }
0xf2: {  	[tilespmem:s5+$0x2A8] =	vst.add.f32.msk $0xffff, v1  }
0xf3: {  	v1 =	vld [tilespmem:s28+$0x30];
	_ =	sdelay $0x4  }
0xf4: {  	[tilespmem:s5+$0x2B8] =	vst.add.f32.msk $0xffff, v1  }
0xf5: {  	v1 =	vld [tilespmem:s28+$0x40];
	_ =	sdelay $0x4  }
0xf6: {  	[tilespmem:s5+$0x2C8] =	vst.add.f32.msk $0xffff, v1  }
0xf7: {  	v1 =	vld [tilespmem:s28+$0x50];
	_ =	sdelay $0x4  }
0xf8: {  	[tilespmem:s5+$0x2D8] =	vst.add.f32.msk $0xffff, v1  }
0xf9: {  	v1 =	vld [tilespmem:s28+$0x60];
	_ =	sdelay $0x4  }
0xfa: {  	[tilespmem:s5+$0x2E8] =	vst.add.f32.msk $0xffff, v1  }
0xfb: {  	v1 =	vld [tilespmem:s28+$0x70];
	_ =	sdelay $0x4  }
0xfc: {  	[tilespmem:s5+$0x2F8] =	vst.add.f32.msk $0xffff, v1  }
.LBB2_23:
0xfd: {  	s29 =	sadd.s32 $0x1, s29  }
0xfe: {  	p2 =	seq.s32 s29, $0x0  }
.Ltmp17:
0xff: {  	_ = 	snop;
	(pc) =	sbr.rel @p2 .LBB2_24-.Ltmp17, $2  }
0x100: {  	_ =	sdelay $0x2  }
0x101: {  	s25 =	sadd.s32 $0x1, s25;
	s28 =	sadd.s32 $0x100, s28;
	s31 =	smov.u32 s0  }
.LBB2_18:
0x102: {  	v1 =	vld.msk [tilespmem:s25+$0x0], $0x1;
	_ =	sdelay $0x4  }
0x103: {  	(v2sf) =	vpush v1, $0x0;
	_ =	sdelay $0xe  }
0x104: {  	s0 =	spop (v2sf)  }
0x105: {  	p2 =	sne.s32 s31, s0  }
.Ltmp18:
0x106: {  	_ = 	snop;
	(pc) =	sbr.rel @!p2 .LBB2_19-.Ltmp18, $3  }
0x107: {  	_ =	sdelay $0x1  }
0x108: {  	s2 =	sshll.u32 s24, $0xA  }
0x109: {  	s5 =	sshra.s32 s2, $0x2  }
0x10a: {  	p2 =	seq.s32 s31, s26  }
.Ltmp19:
0x10b: {  	_ = 	snop;
	(pc) =	sbr.rel @!p2 .LBB2_21-.Ltmp19, $1  }
0x10c: {  	_ =	sdelay $0x3  }
.Ltmp20:
0x10d: {  	s2 =	sadd.s32 $0x208, s5;
	(pc) =	sbr.rel .LBB2_22-.Ltmp20, $4  }
0x10e: {  	[spmem:s16] =	stream.linear.scatter [tilespmem:s2], [sflag:$0x1], $0x100, $0x38;
	[tilespmem:$0x1E678] =	vst v63  }
0x10f: {  	_ =	swait.ge [sflag:s12], $0x100  }
0x110: {  	[sflag:s12] =	ssyncset.done $0x0  }
0x111: {  	[sflag:s12] =	ssyncadd.s32 $0xFFFFFF00  }
.LBB2_21:
0x112: {  	s2 =	sshll.u32 s30, $0xA  }
0x113: {  	s2 =	sshra.s32 s2, $0x2  }
0x114: {  	v1 =	vld [tilespmem:s2+$0x7308];
	_ =	sdelay $0x4  }
0x115: {  	[tilespmem:s5+$0x208] =	vst.add.f32.msk $0xffff, v1  }
0x116: {  	v1 =	vld [tilespmem:s2+$0x7318];
	_ =	sdelay $0x4  }
0x117: {  	[tilespmem:s5+$0x218] =	vst.add.f32.msk $0xffff, v1  }
0x118: {  	v1 =	vld [tilespmem:s2+$0x7328];
	_ =	sdelay $0x4  }
0x119: {  	[tilespmem:s5+$0x228] =	vst.add.f32.msk $0xffff, v1  }
0x11a: {  	v1 =	vld [tilespmem:s2+$0x7338];
	_ =	sdelay $0x4  }
0x11b: {  	[tilespmem:s5+$0x238] =	vst.add.f32.msk $0xffff, v1  }
0x11c: {  	v1 =	vld [tilespmem:s2+$0x7348];
	_ =	sdelay $0x4  }
0x11d: {  	[tilespmem:s5+$0x248] =	vst.add.f32.msk $0xffff, v1  }
0x11e: {  	v1 =	vld [tilespmem:s2+$0x7358];
	_ =	sdelay $0x4  }
0x11f: {  	[tilespmem:s5+$0x258] =	vst.add.f32.msk $0xffff, v1  }
0x120: {  	v1 =	vld [tilespmem:s2+$0x7368];
	_ =	sdelay $0x4  }
0x121: {  	[tilespmem:s5+$0x268] =	vst.add.f32.msk $0xffff, v1  }
0x122: {  	v1 =	vld [tilespmem:s2+$0x7378];
	_ =	sdelay $0x4  }
0x123: {  	[tilespmem:s5+$0x278] =	vst.add.f32.msk $0xffff, v1  }
0x124: {  	v1 =	vld [tilespmem:s2+$0x7388];
	_ =	sdelay $0x4  }
0x125: {  	[tilespmem:s5+$0x288] =	vst.add.f32.msk $0xffff, v1  }
0x126: {  	v1 =	vld [tilespmem:s2+$0x7398];
	_ =	sdelay $0x4  }
0x127: {  	[tilespmem:s5+$0x298] =	vst.add.f32.msk $0xffff, v1  }
0x128: {  	v1 =	vld [tilespmem:s2+$0x73A8];
	_ =	sdelay $0x4  }
0x129: {  	[tilespmem:s5+$0x2A8] =	vst.add.f32.msk $0xffff, v1  }
0x12a: {  	v1 =	vld [tilespmem:s2+$0x73B8];
	_ =	sdelay $0x4  }
0x12b: {  	[tilespmem:s5+$0x2B8] =	vst.add.f32.msk $0xffff, v1  }
0x12c: {  	v1 =	vld [tilespmem:s2+$0x73C8];
	_ =	sdelay $0x4  }
0x12d: {  	[tilespmem:s5+$0x2C8] =	vst.add.f32.msk $0xffff, v1  }
0x12e: {  	v1 =	vld [tilespmem:s2+$0x73D8];
	_ =	sdelay $0x4  }
0x12f: {  	[tilespmem:s5+$0x2D8] =	vst.add.f32.msk $0xffff, v1  }
0x130: {  	v1 =	vld [tilespmem:s2+$0x73E8];
	_ =	sdelay $0x4  }
0x131: {  	[tilespmem:s5+$0x2E8] =	vst.add.f32.msk $0xffff, v1  }
0x132: {  	v1 =	vld [tilespmem:s2+$0x73F8];
	_ =	sdelay $0x2  }
0x133: {  	p2 =	sgt.u32 s31, $0x4E170  }
0x134: {  	s2 =	sand.u32 @!p2 $0x7FFF8, s31  }
0x135: {  	s3 =	sadd.s32 $0x208, s5;
	s9 =	sand.u32 @!p2 $0x7, s31;
	s2 =	sadd.s32 @!p2 s1, s2;
	[tilespmem:s5+$0x2F8] =	vst.add.f32.msk $0xffff, v1  }
0x136: {  	[hbm4b:s2+s9] =	stream.linear.scatter @!p2 [tilespmem:s3], [sflag:$0xC], $0x80, $0x38;
	[tilespmem:$0x1E678] =	vst v63  }
0x137: {  	s2 =	sadd.s32 @!p2 $0x80, s31  }
0x138: {  	s2 =	sand.u32 @!p2 $0xFFFF8, s2  }
0x139: {  	s3 =	sadd.s32 $0x288, s5;
	s2 =	sadd.s32 @!p2 s1, s2  }
0x13a: {  	[hbm4b:s2+s9] =	stream.linear.scatter @!p2 [tilespmem:s3], [sflag:$0xC], $0x80, $0x38;
	[tilespmem:$0x1E678] =	vst v63  }
0x13b: {  	s2 =	simm.s32 $0x0  }
0x13c: {  	s2 =	simm.s32 @!p2 $0x400  }
0x13d: {  	s4 =	sadd.s32 s2, s4  }
.LBB2_22:
0x13e: {  	s2 =	sadd.s32 $0x1, s24  }
0x13f: {  	s3 =	sshrl.u32 s2, $0x4  }
0x140: {  	s3 =	smulhi.u32 $0x24924925, s3  }
0x141: {  	v1 =	vld [tilespmem:s28+$0xFFFFFF80]  }
0x142: {  	s3 =	smul.u32 $0x70, s3;
	_ =	sdelay $0x1  }
0x143: {  	s24 =	ssub.s32 s2, s3  }
0x144: {  	s2 =	sshll.u32 s24, $0x8  }
0x145: {  	[tilespmem:s2+$0x208] =	vst v1  }
0x146: {  	v1 =	vld [tilespmem:s28+$0xFFFFFF90];
	_ =	sdelay $0x4  }
0x147: {  	[tilespmem:s2+$0x218] =	vst v1  }
0x148: {  	v1 =	vld [tilespmem:s28+$0xFFFFFFA0];
	_ =	sdelay $0x4  }
0x149: {  	[tilespmem:s2+$0x228] =	vst v1  }
0x14a: {  	v1 =	vld [tilespmem:s28+$0xFFFFFFB0];
	_ =	sdelay $0x4  }
0x14b: {  	[tilespmem:s2+$0x238] =	vst v1  }
0x14c: {  	v1 =	vld [tilespmem:s28+$0xFFFFFFC0];
	_ =	sdelay $0x4  }
0x14d: {  	[tilespmem:s2+$0x248] =	vst v1  }
0x14e: {  	v1 =	vld [tilespmem:s28+$0xFFFFFFD0];
	_ =	sdelay $0x4  }
0x14f: {  	[tilespmem:s2+$0x258] =	vst v1  }
0x150: {  	v1 =	vld [tilespmem:s28+$0xFFFFFFE0];
	_ =	sdelay $0x4  }
0x151: {  	[tilespmem:s2+$0x268] =	vst v1  }
0x152: {  	v1 =	vld [tilespmem:s28+$0xFFFFFFF0];
	_ =	sdelay $0x4  }
0x153: {  	[tilespmem:s2+$0x278] =	vst v1  }
0x154: {  	v1 =	vld [tilespmem:s28+$0x0];
	_ =	sdelay $0x4  }
0x155: {  	[tilespmem:s2+$0x288] =	vst v1  }
0x156: {  	v1 =	vld [tilespmem:s28+$0x10];
	_ =	sdelay $0x4  }
0x157: {  	[tilespmem:s2+$0x298] =	vst v1  }
0x158: {  	v1 =	vld [tilespmem:s28+$0x20];
	_ =	sdelay $0x4  }
0x159: {  	[tilespmem:s2+$0x2A8] =	vst v1  }
0x15a: {  	v1 =	vld [tilespmem:s28+$0x30];
	_ =	sdelay $0x4  }
0x15b: {  	[tilespmem:s2+$0x2B8] =	vst v1  }
0x15c: {  	v1 =	vld [tilespmem:s28+$0x40];
	_ =	sdelay $0x4  }
0x15d: {  	[tilespmem:s2+$0x2C8] =	vst v1  }
0x15e: {  	v1 =	vld [tilespmem:s28+$0x50];
	_ =	sdelay $0x4  }
0x15f: {  	[tilespmem:s2+$0x2D8] =	vst v1  }
0x160: {  	v1 =	vld [tilespmem:s28+$0x60];
	_ =	sdelay $0x4  }
0x161: {  	[tilespmem:s2+$0x2E8] =	vst v1  }
0x162: {  	v1 =	vld [tilespmem:s28+$0x70]  }
.Ltmp21:
0x163: {  	_ = 	snop;
	(pc) =	sbr.rel .LBB2_23-.Ltmp21, $2  }
0x164: {  	_ =	sdelay $0x2  }
0x165: {  	s30 =	sadd.s32 $0x1, s30;
	[tilespmem:s2+$0x2F8] =	vst v1  }
.LBB2_25:
.Ltmp22:
0x166: {  	(pc) =	sbr.rel .LBB2_26-.Ltmp22, $4  }
0x167: {  	_ = 	snop  }
0x168: {  	s0 =	simm.s32 $0x2  }
0x169: {  	_ =	swait.ge [sflag:s0], $0x0  }
0x16a: {  	s2 =	simm.s32 $0x0;
	[sflag:s0] =	ssyncset.done $0x0;
	s0 =	smov.u32 s31  }
.LBB2_28:
0x16b: {  	_ =	sfence.sel $0x180000  }
0x16c: {  	s0 =	simm.s32 $0x9;
	[bflag:$0x0] =	sbarrier.arrive $0xFFFF  }
0x16d: {  	s24 =	simm.s32 $0xA;
	[sflag:s0] =	ssyncpa.u1 $0x1  }
0x16e: {  	s25 =	simm.s32 $0xB;
	[sflag:s24] =	ssyncpa.u1 $0x1  }
0x16f: {  	s26 =	simm.s32 $0x2;
	[sflag:s25] =	ssyncpa.u1 $0x1  }
0x170: {  	[sflag:s26] =	ssyncpa.u1 $0x1  }
0x171: {  	v0 =	vld [tilespmem:$0xE408];
	_ =	sdelay $0x4  }
0x172: {  	(v2sf) =	vpush v0, $0x0  }
0x173: {  	(v2sf) =	vpush v0, $0x1;
	_ =	sdelay $0x1  }
0x174: {  	(v2sf) =	vpush v0, $0x2;
	_ =	sdelay $0xb  }
0x175: {  	s0 =	spop (v2sf)  }
0x176: {  	s2 =	spop (v2sf)  }
0x177: {  	s3 =	smov.u32 s0;
	p0 =	sne.s32 s0, s2  }
0x178: {  	s4 =	spop (v2sf);
	s3 =	simm.s32 @!p0 $0xFFFFFFFF  }
0x179: {  	v2 =	vimm.s32 $0x1;
	v3 =	vlaneseq.u32;
	p0 =	seq.s32 s4, $0xFFFFFFFF;
	v1 =	vmov s3  }
0x17a: {  	s15 =	stileid.u32;
	v0 =	vperm.xlane v0, v2;
	p1 =	sne.s32 @!p0 s0, s2;
	v1 =	vperm.xlane v1, v3  }
0x17b: {  	vm0 =	vcmask $0x3F04;
	s6 =	simm.s32 $0xE408;
	s0 =	simm.s32 @!p0 $0x1;
	p1 =	por !p1, p0  }
0x17c: {  	s3 =	sshll.u32 s15, $0x1;
	s2 =	sshll.u32 @!p0 s4, $0xA;
	s0 =	simm.s32 @p1 $0x0;
	v0 =	vsel vm0, v1, v0  }
0x17d: {  	s5 =	sor.u32 $0x2000, s3;
	s2 =	sshra.s32 @!p0 s2, $0x2;
	s0 =	sor.u32 @!p0 s0, s3;
	[tilespmem:$0xE408] =	vst v0  }
0x17e: {  	[spmem:s5] =	stream.linear.scatter [tilespmem:s6], [sflag:$0x1], $0x2, $0x38;
	[tilespmem:$0x1E678] =	vst v63  }
0x17f: {  	s2 =	sadd.s32 @!p0 $0x208, s2;
	s0 =	sshll.u32 @!p0 s0, $0x8  }
0x180: {  	[spmem:s0] =	stream.linear.scatter @!p0 [tilespmem:s2], [sflag:$0x1], $0x100, $0x38;
	[tilespmem:$0x1E678] =	vst v63  }
0x181: {  	s0 =	simm.s32 @!p0 $0x102  }
0x182: {  	s28 =	simm.s32 $0x1;
	s0 =	simm.s32 @p0 $0x2  }
0x183: {  	_ =	swait.ge [sflag:s28], s0  }
0x184: {  	s0 =	ssub.s32 $0x0, s0;
	[sflag:s28] =	ssyncset.done $0x0  }
0x185: {  	p0 =	sne.s32 s15, $0x0;
	[sflag:s28] =	ssyncadd.s32 s0  }
.Ltmp23:
0x186: {  	_ =	sfence.stream.spmem;
	(pc) =	sbr.rel @p0 .LBB2_45-.Ltmp23, $4  }
0x187: {  	s29 =	simm.s32 $0x3;
	[bflag:$0x0] =	sbarrier.arrive $0xFFFF  }
0x188: {  	s30 =	simm.s32 $0x4;
	[sflag:s29] =	ssyncpa.u1 $0x1  }
0x189: {  	s31 =	simm.s32 $0x3C;
	[sflag:s30] =	ssyncpa.u1 $0x1  }
0x18a: {  	s14 =	rddreg [dreg:$0x5];
	[sflag:s31] =	ssyncpa.u1 $0x1  }
0x18b: {  	_ =	sfence.stream.spmem;
	s0 =	simm.s32 $0x5  }
0x18c: {  	s2 =	simm.s32 $0x2000;
	s3 =	simm.s32 $0xE418;
	[sflag:s0] =	ssyncpa.u1 $0x0  }
0x18d: {  	[tilespmem:s3], [sflag:$0x5] =	stream.linear.gather [spmem:s2], $0x20, $0x38;
	[tilespmem:$0x1E678] =	vst v63  }
0x18e: {  	s26 =	simm.s32 $0x0;
	s28 =	simm.s32 $0xE438  }
0x18f: {  	[tilespmem:s28], [sflag:$0x5] =	stream.linear.gather [spmem:s26], $0x2000, $0x38;
	[tilespmem:$0x1E678] =	vst v63  }
0x190: {  	_ =	swait.ge [sflag:s0], $0x2020  }
0x191: {  	[sflag:s0] =	ssyncset.done $0x0  }
0x192: {  	s29 =	simm.s32 $0x0;
	[sflag:s0] =	ssyncadd.s32 $0xFFFFDFE0  }
0x193: {  	v0 =	vld.msk [tilespmem:s29+$0xE418], $0x1;
	_ =	sdelay $0x1  }
0x194: {  	s30 =	simm.s32 $0x1  }
0x195: {  	v1 =	vld.msk [tilespmem:s30+$0xE418], $0x1;
	_ =	sdelay $0x1  }
0x196: {  	(v2sf) =	vpush v0, $0x0;
	_ =	sdelay $0x2  }
0x197: {  	(v2sf) =	vpush v1, $0x0;
	_ =	sdelay $0x2  }
0x198: {  	s31 =	simm.s32 $0x2  }
0x199: {  	v0 =	vld.msk [tilespmem:s31+$0xE418], $0x1;
	_ =	sdelay $0x2  }
0x19a: {  	s2 =	simm.s32 $0xFFFFFFFF;
	s3 =	simm.s32 $0xFFFFFFFF;
	s0 =	simm.s32 $0xC  }
.LBB2_30:
0x19b: {  	s4 =	smov.u32 s3;
	s5 =	smov.u32 s2  }
0x19c: {  	s2 =	sshra.s32 s0, $0x2;
	p1 =	sne.s32 s0, $0x7C;
	s0 =	sadd.s32 $0x4, s0;
	(v2sf) =	vpush v0, $0x0  }
0x19d: {  	v0 =	vld.msk [tilespmem:s2+$0xE418], $0x1  }
.Ltmp24:
0x19e: {  	(pc) =	sbr.rel @p1 .LBB2_30-.Ltmp24, $4  }
0x19f: {  	s3 =	spop (v2sf)  }
0x1a0: {  	p2 =	sne.s32 s5, $0xFFFFFFFF;
	s2 =	smov.u32 s3  }
0x1a1: {  	p3 =	seq.s32 s3, $0xFFFFFFFF;
	s2 =	smov.u32 @p2 s5  }
0x1a2: {  	s3 =	smov.u32 @p3 s4;
	s2 =	smov.u32 @p3 s5  }
0x1a3: {  	(v2sf) =	vpush v0, $0x0;
	_ =	sdelay $0x8  }
0x1a4: {  	s0 =	spop (v2sf)  }
0x1a5: {  	p1 =	sne.s32 s2, $0xFFFFFFFF;
	s9 =	simm.s32 $0x6;
	s4 =	smov.u32 s0  }
0x1a6: {  	s6 =	simm.s32 $0x0;
	p2 =	seq.s32 s0, $0xFFFFFFFF;
	s4 =	smov.u32 @p1 s2  }
0x1a7: {  	s10 =	simm.s32 $0xE308;
	s4 =	smov.u32 @p2 s2;
	s2 =	spop (v2sf)  }
0x1a8: {  	s0 =	smov.u32 @p2 s3;
	p1 =	sne.s32 s4, $0xFFFFFFFF;
	s5 =	smov.u32 s2  }
.Ltmp25:
0x1a9: {  	p2 =	seq.s32 s2, $0xFFFFFFFF;
	s5 =	smov.u32 @p1 s4;
	(pc) =	sbr.rel .LBB2_32-.Ltmp25, $4  }
0x1aa: {  	s11 =	simm.s32 $0xE388;
	s5 =	smov.u32 @p2 s4;
	s7 =	spop (v2sf)  }
0x1ab: {  	s12 =	simm.s32 $0x0;
	p1 =	sne.s32 s5, $0xFFFFFFFF;
	s8 =	smov.u32 s7  }
0x1ac: {  	s2 =	smov.u32 @p2 s0;
	p2 =	seq.s32 s7, $0xFFFFFFFF;
	s8 =	smov.u32 @p1 s5  }
0x1ad: {  	[sflag:s9] =	ssyncpa.u1 $0x0;
	s7 =	smov.u32 @p2 s2;
	s8 =	smov.u32 @p2 s5  }
.LBB2_38:
0x1ae: {  	p1 =	sgt.u32 s0, $0x4E170  }
0x1af: {  	p2 =	seq.s32 @!p1 s0, s8  }
0x1b0: {  	p1 =	por p1, p2  }
0x1b1: {  	p2 =	sne.s32 @!p1 s0, s7  }
0x1b2: {  	p1 =	por p1, !p2  }
0x1b3: {  	s0 =	sshll.u32 @p1 s12, $0xA  }
0x1b4: {  	s2 =	sand.u32 @!p1 $0x7FFF8, s0;
	s3 =	sand.u32 @!p1 $0x7, s0;
	s0 =	sadd.s32 @!p1 $0x80, s0  }
0x1b5: {  	s2 =	sadd.s32 @!p1 s1, s2;
	s0 =	sand.u32 @!p1 $0xFFFF8, s0  }
0x1b6: {  	[tilespmem:s10], [sflag:$0x6] =	stream.linear.gather @!p1 [hbm4b:s2+s3], $0x80, $0x38;
	[tilespmem:$0x1E678] =	vst v63  }
0x1b7: {  	s0 =	sadd.s32 @!p1 s1, s0  }
0x1b8: {  	[tilespmem:s11], [sflag:$0x6] =	stream.linear.gather @!p1 [hbm4b:s0+s3], $0x80, $0x38;
	[tilespmem:$0x1E678] =	vst v63  }
0x1b9: {  	_ =	swait.ge @!p1 [sflag:s9], $0x100  }
0x1ba: {  	[sflag:s9] =	ssyncset.done @!p1 $0x0  }
0x1bb: {  	[sflag:s9] =	ssyncadd.s32 @!p1 $0xFFFFFF00  }
0x1bc: {  	v1 =	vld @!p1 [tilespmem:$0xE308];
	_ =	sdelay $0x2  }
0x1bd: {  	s0 =	sshll.u32 @!p1 s12, $0xA  }
0x1be: {  	s2 =	sshrl.u32 @!p1 s0, $0x2  }
0x1bf: {  	[tilespmem:s2+$0xE438] =	vst.add.f32.msk @!p1 $0xffff, v1  }
0x1c0: {  	v1 =	vld @!p1 [tilespmem:$0xE318];
	_ =	sdelay $0x4  }
0x1c1: {  	[tilespmem:s2+$0xE448] =	vst.add.f32.msk @!p1 $0xffff, v1  }
0x1c2: {  	v1 =	vld @!p1 [tilespmem:$0xE328];
	_ =	sdelay $0x4  }
0x1c3: {  	[tilespmem:s2+$0xE458] =	vst.add.f32.msk @!p1 $0xffff, v1  }
0x1c4: {  	v1 =	vld @!p1 [tilespmem:$0xE338];
	_ =	sdelay $0x4  }
0x1c5: {  	[tilespmem:s2+$0xE468] =	vst.add.f32.msk @!p1 $0xffff, v1  }
0x1c6: {  	v1 =	vld @!p1 [tilespmem:$0xE348];
	_ =	sdelay $0x4  }
0x1c7: {  	[tilespmem:s2+$0xE478] =	vst.add.f32.msk @!p1 $0xffff, v1  }
0x1c8: {  	v1 =	vld @!p1 [tilespmem:$0xE358];
	_ =	sdelay $0x4  }
0x1c9: {  	[tilespmem:s2+$0xE488] =	vst.add.f32.msk @!p1 $0xffff, v1  }
0x1ca: {  	v1 =	vld @!p1 [tilespmem:$0xE368];
	_ =	sdelay $0x4  }
0x1cb: {  	[tilespmem:s2+$0xE498] =	vst.add.f32.msk @!p1 $0xffff, v1  }
0x1cc: {  	v1 =	vld @!p1 [tilespmem:$0xE378];
	_ =	sdelay $0x4  }
0x1cd: {  	[tilespmem:s2+$0xE4A8] =	vst.add.f32.msk @!p1 $0xffff, v1  }
0x1ce: {  	v1 =	vld @!p1 [tilespmem:$0xE388];
	_ =	sdelay $0x4  }
0x1cf: {  	[tilespmem:s2+$0xE4B8] =	vst.add.f32.msk @!p1 $0xffff, v1  }
0x1d0: {  	v1 =	vld @!p1 [tilespmem:$0xE398];
	_ =	sdelay $0x4  }
0x1d1: {  	[tilespmem:s2+$0xE4C8] =	vst.add.f32.msk @!p1 $0xffff, v1  }
0x1d2: {  	v1 =	vld @!p1 [tilespmem:$0xE3A8];
	_ =	sdelay $0x4  }
0x1d3: {  	[tilespmem:s2+$0xE4D8] =	vst.add.f32.msk @!p1 $0xffff, v1  }
0x1d4: {  	v1 =	vld @!p1 [tilespmem:$0xE3B8];
	_ =	sdelay $0x4  }
0x1d5: {  	[tilespmem:s2+$0xE4E8] =	vst.add.f32.msk @!p1 $0xffff, v1  }
0x1d6: {  	v1 =	vld @!p1 [tilespmem:$0xE3C8];
	_ =	sdelay $0x4  }
0x1d7: {  	[tilespmem:s2+$0xE4F8] =	vst.add.f32.msk @!p1 $0xffff, v1  }
0x1d8: {  	v1 =	vld @!p1 [tilespmem:$0xE3D8];
	_ =	sdelay $0x4  }
0x1d9: {  	[tilespmem:s2+$0xE508] =	vst.add.f32.msk @!p1 $0xffff, v1  }
0x1da: {  	v1 =	vld @!p1 [tilespmem:$0xE3E8];
	_ =	sdelay $0x4  }
0x1db: {  	[tilespmem:s2+$0xE518] =	vst.add.f32.msk @!p1 $0xffff, v1  }
0x1dc: {  	v1 =	vld @!p1 [tilespmem:$0xE3F8];
	_ =	sdelay $0x4  }
0x1dd: {  	[tilespmem:s2+$0xE528] =	vst.add.f32.msk @!p1 $0xffff, v1  }
0x1de: {  	s0 =	sshrl.u32 s0, $0x2;
	[tilespmem:s6+$0xE418] =	vst.msk $0x1, v0  }
0x1df: {  	v0 =	vld [tilespmem:s0+$0xE438];
	_ =	sdelay $0x2  }
0x1e0: {  	s31 =	sshll.u32 s6, $0xA  }
0x1e1: {  	s2 =	sshra.s32 s31, $0x2  }
0x1e2: {  	[tilespmem:s2+$0xE438] =	vst v0  }
0x1e3: {  	v0 =	vld [tilespmem:s0+$0xE448];
	_ =	sdelay $0x4  }
0x1e4: {  	[tilespmem:s2+$0xE448] =	vst v0  }
0x1e5: {  	v0 =	vld [tilespmem:s0+$0xE458];
	_ =	sdelay $0x4  }
0x1e6: {  	[tilespmem:s2+$0xE458] =	vst v0  }
0x1e7: {  	v0 =	vld [tilespmem:s0+$0xE468];
	_ =	sdelay $0x4  }
0x1e8: {  	[tilespmem:s2+$0xE468] =	vst v0  }
0x1e9: {  	v0 =	vld [tilespmem:s0+$0xE478];
	_ =	sdelay $0x4  }
0x1ea: {  	[tilespmem:s2+$0xE478] =	vst v0  }
0x1eb: {  	v0 =	vld [tilespmem:s0+$0xE488];
	_ =	sdelay $0x4  }
0x1ec: {  	[tilespmem:s2+$0xE488] =	vst v0  }
0x1ed: {  	v0 =	vld [tilespmem:s0+$0xE498];
	_ =	sdelay $0x4  }
0x1ee: {  	[tilespmem:s2+$0xE498] =	vst v0  }
0x1ef: {  	v0 =	vld [tilespmem:s0+$0xE4A8];
	_ =	sdelay $0x4  }
0x1f0: {  	[tilespmem:s2+$0xE4A8] =	vst v0  }
0x1f1: {  	v0 =	vld [tilespmem:s0+$0xE4B8];
	_ =	sdelay $0x4  }
0x1f2: {  	[tilespmem:s2+$0xE4B8] =	vst v0  }
0x1f3: {  	v0 =	vld [tilespmem:s0+$0xE4C8];
	_ =	sdelay $0x4  }
0x1f4: {  	[tilespmem:s2+$0xE4C8] =	vst v0  }
0x1f5: {  	v0 =	vld [tilespmem:s0+$0xE4D8];
	_ =	sdelay $0x4  }
0x1f6: {  	[tilespmem:s2+$0xE4D8] =	vst v0  }
0x1f7: {  	v0 =	vld [tilespmem:s0+$0xE4E8];
	_ =	sdelay $0x4  }
0x1f8: {  	[tilespmem:s2+$0xE4E8] =	vst v0  }
0x1f9: {  	v0 =	vld [tilespmem:s0+$0xE4F8];
	_ =	sdelay $0x4  }
0x1fa: {  	[tilespmem:s2+$0xE4F8] =	vst v0  }
0x1fb: {  	v0 =	vld [tilespmem:s0+$0xE508];
	_ =	sdelay $0x4  }
0x1fc: {  	[tilespmem:s2+$0xE508] =	vst v0  }
0x1fd: {  	v0 =	vld [tilespmem:s0+$0xE518];
	_ =	sdelay $0x4  }
0x1fe: {  	[tilespmem:s2+$0xE518] =	vst v0  }
0x1ff: {  	v0 =	vld [tilespmem:s0+$0xE528];
	_ =	sdelay $0x4  }
0x200: {  	s6 =	sadd.s32 $0x1, s6;
	[tilespmem:s2+$0xE528] =	vst v0  }
.LBB2_39:
0x201: {  	s12 =	sadd.s32 $0x1, s12  }
0x202: {  	p1 =	sne.s32 s12, $0x20  }
.Ltmp26:
0x203: {  	_ = 	snop;
	(pc) =	sbr.rel @!p1 .LBB2_40-.Ltmp26, $1  }
0x204: {  	_ =	sdelay $0x3  }
.LBB2_32:
0x205: {  	v0 =	vld.msk [tilespmem:s12+$0xE418], $0x1;
	_ =	sdelay $0x4  }
0x206: {  	(v2sf) =	vpush v0, $0x0;
	_ =	sdelay $0xe  }
0x207: {  	s0 =	spop (v2sf)  }
0x208: {  	p1 =	seq.s32 s0, $0xFFFFFFFF  }
.Ltmp27:
0x209: {  	_ = 	snop;
	(pc) =	sbr.rel @p1 .LBB2_39-.Ltmp27, $1  }
0x20a: {  	_ =	sdelay $0x3  }
0x20b: {  	p1 =	slt.s32 s6, $0x1  }
.Ltmp28:
0x20c: {  	_ = 	snop;
	(pc) =	sbr.rel @p1 .LBB2_38-.Ltmp28, $1  }
0x20d: {  	_ =	sdelay $0x3  }
0x20e: {  	s4 =	simm.s32 $0xE418;
	p1 =	por $0x0, $0x0  }
0x20f: {  	v1 =	vld.msk @!p1 [tilespmem:s4+$0x0], $0x1;
	_ =	sdelay $0x4  }
0x210: {  	(v2sf) =	vpush @!p1 v1, $0x0;
	_ =	sdelay $0xd  }
0x211: {  	p3 =	sne.s32 s6, $0x1  }
.Ltmp29:
0x212: {  	s2 =	spop @!p1 (v2sf);
	(pc) =	sbr.rel @!p3 .LBB2_36-.Ltmp29, $4  }
0x213: {  	p2 =	seq.s32 @!p1 s0, s2  }
0x214: {  	s5 =	simm.s32 $0x0;
	p2 =	por !p2, p1  }
0x215: {  	s2 =	simm.s32 $0xFFFFFFFF;
	s5 =	simm.s32 @p2 $0xFFFFFFFF  }
0x216: {  	s13 =	simm.s32 $0x1;
	s5 =	smov.u32 @p1 s2  }
.LBB2_35:
0x217: {  	s2 =	smov.u32 s5;
	p1 =	sne.s32 s5, $0xFFFFFFFF  }
0x218: {  	s4 =	sadd.s32 $0x1, s4;
	s5 =	smov.u32 s13;
	s13 =	sadd.s32 $0x1, s13  }
0x219: {  	p2 =	sne.s32 s6, s13;
	v1 =	vld.msk @!p1 [tilespmem:s4+$0x0], $0x1;
	_ =	sdelay $0x4  }
0x21a: {  	(v2sf) =	vpush @!p1 v1, $0x0;
	_ =	sdelay $0xe  }
.Ltmp30:
0x21b: {  	s3 =	spop @!p1 (v2sf);
	(pc) =	sbr.rel @p2 .LBB2_35-.Ltmp30, $4  }
0x21c: {  	p3 =	seq.s32 @!p1 s0, s3  }
0x21d: {  	p3 =	por !p3, p1  }
0x21e: {  	s5 =	simm.s32 @p3 $0xFFFFFFFF  }
0x21f: {  	s5 =	smov.u32 @p1 s2  }
.LBB2_36:
0x220: {  	p1 =	seq.s32 s5, $0xFFFFFFFF  }
.Ltmp31:
0x221: {  	_ = 	snop;
	(pc) =	sbr.rel @p1 .LBB2_38-.Ltmp31, $1  }
0x222: {  	_ =	sdelay $0x3  }
0x223: {  	s0 =	sshll.u32 s12, $0x8  }
0x224: {  	s0 =	sand.u32 $0x3FFFFF00, s0  }
0x225: {  	v0 =	vld [tilespmem:s0+$0xE438];
	_ =	sdelay $0x2  }
0x226: {  	s2 =	sshll.u32 s5, $0xA  }
0x227: {  	s2 =	sshra.s32 s2, $0x2  }
0x228: {  	[tilespmem:s2+$0xE438] =	vst.add.f32.msk $0xffff, v0  }
0x229: {  	v0 =	vld [tilespmem:s0+$0xE448];
	_ =	sdelay $0x4  }
0x22a: {  	[tilespmem:s2+$0xE448] =	vst.add.f32.msk $0xffff, v0  }
0x22b: {  	v0 =	vld [tilespmem:s0+$0xE458];
	_ =	sdelay $0x4  }
0x22c: {  	[tilespmem:s2+$0xE458] =	vst.add.f32.msk $0xffff, v0  }
0x22d: {  	v0 =	vld [tilespmem:s0+$0xE468];
	_ =	sdelay $0x4  }
0x22e: {  	[tilespmem:s2+$0xE468] =	vst.add.f32.msk $0xffff, v0  }
0x22f: {  	v0 =	vld [tilespmem:s0+$0xE478];
	_ =	sdelay $0x4  }
0x230: {  	[tilespmem:s2+$0xE478] =	vst.add.f32.msk $0xffff, v0  }
0x231: {  	v0 =	vld [tilespmem:s0+$0xE488];
	_ =	sdelay $0x4  }
0x232: {  	[tilespmem:s2+$0xE488] =	vst.add.f32.msk $0xffff, v0  }
0x233: {  	v0 =	vld [tilespmem:s0+$0xE498];
	_ =	sdelay $0x4  }
0x234: {  	[tilespmem:s2+$0xE498] =	vst.add.f32.msk $0xffff, v0  }
0x235: {  	v0 =	vld [tilespmem:s0+$0xE4A8];
	_ =	sdelay $0x4  }
0x236: {  	[tilespmem:s2+$0xE4A8] =	vst.add.f32.msk $0xffff, v0  }
0x237: {  	v0 =	vld [tilespmem:s0+$0xE4B8];
	_ =	sdelay $0x4  }
0x238: {  	[tilespmem:s2+$0xE4B8] =	vst.add.f32.msk $0xffff, v0  }
0x239: {  	v0 =	vld [tilespmem:s0+$0xE4C8];
	_ =	sdelay $0x4  }
0x23a: {  	[tilespmem:s2+$0xE4C8] =	vst.add.f32.msk $0xffff, v0  }
0x23b: {  	v0 =	vld [tilespmem:s0+$0xE4D8];
	_ =	sdelay $0x4  }
0x23c: {  	[tilespmem:s2+$0xE4D8] =	vst.add.f32.msk $0xffff, v0  }
0x23d: {  	v0 =	vld [tilespmem:s0+$0xE4E8];
	_ =	sdelay $0x4  }
0x23e: {  	[tilespmem:s2+$0xE4E8] =	vst.add.f32.msk $0xffff, v0  }
0x23f: {  	v0 =	vld [tilespmem:s0+$0xE4F8];
	_ =	sdelay $0x4  }
0x240: {  	[tilespmem:s2+$0xE4F8] =	vst.add.f32.msk $0xffff, v0  }
0x241: {  	v0 =	vld [tilespmem:s0+$0xE508];
	_ =	sdelay $0x4  }
0x242: {  	[tilespmem:s2+$0xE508] =	vst.add.f32.msk $0xffff, v0  }
0x243: {  	v0 =	vld [tilespmem:s0+$0xE518];
	_ =	sdelay $0x4  }
0x244: {  	[tilespmem:s2+$0xE518] =	vst.add.f32.msk $0xffff, v0  }
0x245: {  	v0 =	vld [tilespmem:s0+$0xE528]  }
.Ltmp32:
0x246: {  	_ = 	snop;
	(pc) =	sbr.rel .LBB2_39-.Ltmp32, $2  }
0x247: {  	_ =	sdelay $0x2  }
0x248: {  	[tilespmem:s2+$0xE528] =	vst.add.f32.msk $0xffff, v0  }
.LBB2_40:
0x249: {  	s0 =	simm.s32 $0x6;
	p1 =	seq.s32 s6, $0x0  }
0x24a: {  	[sflag:s0] =	ssyncpa.u1 $0x1;
	v0 =	vimm.s32 @p1 $0xFFFFFFFF  }
0x24b: {  	s0 =	sadd.s32 $0xFFFFFFFF, s6;
	[tilespmem:$0x10438] =	vst @p1 v0  }
0x24c: {  	v0 =	vld.msk @!p1 [tilespmem:s0+$0xE418], $0x1;
	_ =	sdelay $0x1  }
0x24d: {  	v1 =	vld.msk @!p1 [tilespmem:$0xE418], $0x1;
	_ =	sdelay $0x2  }
0x24e: {  	p2 =	seq.s32 @!p1 s0, $0x0;
	v0 =	vbroadcast @!p1 v0, $0x0  }
0x24f: {  	vm0 =	vmmov @!p1 $0x1;
	p2 =	por !p2, p1  }
0x250: {  	v1 =	vnsel @!p1 vm0, $0xFFFFFFFF, v1;
	vm0 =	vcmask @!p1 $0x308;
	v0 =	vpsel !p2, $0xFFFFFFFF, v0  }
0x251: {  	p2 =	sne.s32 @!p1 s8, s7;
	v0 =	vsel @!p1 vm0, v1, v0  }
0x252: {  	s2 =	simm.s32 @!p1 $0xE438;
	s3 =	simm.s32 @!p1 $0x0;
	p3 =	por !p2, p1;
	[tilespmem:$0x10438] =	vst @!p1 v0  }
0x253: {  	[spmem:s3] =	stream.linear.scatter @!p1 [tilespmem:s2], [sflag:$0x1], $0x100, $0x38;
	[tilespmem:$0x1E678] =	vst v63  }
0x254: {  	s2 =	sshll.u32 @!p3 s0, $0xA  }
0x255: {  	s2 =	sshra.s32 @!p3 s2, $0x2  }
0x256: {  	s3 =	simm.s32 @!p3 $0x100;
	s2 =	sadd.s32 @!p3 $0xE438, s2  }
0x257: {  	[spmem:s3] =	stream.linear.scatter @!p3 [tilespmem:s2], [sflag:$0x1], $0x100, $0x38;
	[tilespmem:$0x1E678] =	vst v63  }
0x258: {  	s2 =	simm.s32 @!p3 $0x1  }
0x259: {  	_ =	swait.ge @!p3 [sflag:s2], $0x200  }
0x25a: {  	p1 =	por p2, p1;
	[sflag:s2] =	ssyncset.done @!p3 $0x0  }
0x25b: {  	[sflag:s2] =	ssyncadd.s32 @!p3 $0xFFFFFE00;
	s2 =	simm.s32 @!p1 $0x1  }
0x25c: {  	_ =	swait.ge @!p1 [sflag:s2], $0x100  }
0x25d: {  	s29 =	simm.s32 $0x10438;
	[sflag:s2] =	ssyncset.done @!p1 $0x0  }
0x25e: {  	s30 =	simm.s32 $0x2000;
	s31 =	simm.s32 $0x1;
	[sflag:s2] =	ssyncadd.s32 @!p1 $0xFFFFFF00  }
0x25f: {  	[spmem:s30] =	stream.linear.scatter [tilespmem:s29], [sflag:$0x1], $0x10, $0x38;
	[tilespmem:$0x1E678] =	vst v63  }
0x260: {  	_ =	swait.ge [sflag:s31], $0x10  }
0x261: {  	[sflag:s31] =	ssyncset.done $0x0  }
0x262: {  	p1 =	seq.s32 s14, $0x0;
	s9 =	rddreg [dreg:$0x2];
	[sflag:s31] =	ssyncadd.s32 $0xFFFFFFF0  }
0x263: {  	s3 =	sshll.u32 @p1 s9, $0xE;
	s8 =	rddreg [dreg:$0x3]  }
0x264: {  	s2 =	sadd.s32 @p1 $0x15C3C, s3;
	s3 =	sshll.u32 @p1 s8, $0x11  }
0x265: {  	_ =	sfence.stream.spmem;
	s2 =	sor.u32 @p1 s3, s2  }
0x266: {  	[sflag:s2] =	ssyncadd.remote.s32 @p1 $0x1;
	s2 =	simm.s32 @p1 $0x4  }
0x267: {  	s4 =	simm.s32 @!p1 $0x3C;
	s3 =	sand.u32 $0xFFFFFFFE, s9;
	_ =	swait.ge @p1 [sflag:s2], $0x42  }
0x268: {  	s5 =	simm.s32 @!p1 $0x0;
	s3 =	sadd.s32 @!p1 $0x4, s3;
	[sflag:s2] =	ssyncset.done @p1 $0x0  }
0x269: {  	s7 =	simm.s32 @!p1 $0x200;
	[sflag:s2] =	ssyncadd.s32 @p1 $0xFFFFFFBE;
	s2 =	sshll.u32 @!p1 s3, $0x1A  }
0x26a: {  	s3 =	sshll.u32 @!p1 s3, $0xD;
	s2 =	sor.u32 @!p1 s2, s8;
	_ =	swait.eq @!p1 [sflag:s4], $0x1  }
0x26b: {  	s3 =	sor.u32 @!p1 $0x1C04, s3;
	s4 =	simm.s32 @!p1 $0x1C03;
	s2 =	sor.u32 @!p1 $0x80004000, s2  }
0x26c: {  	[spmem:s7], [sflag:s3] =	dma.general @!p1 [spmem:s5], [sflag:s4], length:$0x40, [dreg:$0x0], stride_count:$0x0, ici_dest:s2, dma_misc:DstOpCode:WRITE  }
0x26d: {  	p2 =	slt.s32 s0, $0x2;
	s5 =	simm.s32 @!p1 $0x400;
	s7 =	simm.s32 @!p1 $0x402  }
0x26e: {  	[spmem:s7], [sflag:s3] =	dma.general @!p1 [spmem:s5], [sflag:s4], length:$0x2, [dreg:$0x0], stride_count:$0x0, ici_dest:s2, dma_misc:DstOpCode:WRITE  }
.Ltmp33:
0x26f: {  	s2 =	simm.s32 @!p1 $0x3;
	(pc) =	sbr.rel @p2 .LBB2_44-.Ltmp33, $4  }
0x270: {  	s3 =	sshll.u32 @!p1 s9, $0xE;
	_ =	swait.ge @!p1 [sflag:s2], $0x42  }
0x271: {  	s4 =	sshll.u32 @!p1 s8, $0x11;
	s3 =	sadd.s32 @!p1 $0x11C3C, s3;
	[sflag:s2] =	ssyncset.done @!p1 $0x0  }
0x272: {  	[sflag:s2] =	ssyncadd.s32 @!p1 $0xFFFFFFBE;
	s2 =	sor.u32 @!p1 s4, s3  }
0x273: {  	s0 =	simm.s32 $0x0;
	[sflag:s2] =	ssyncadd.remote.s32 @!p1 $0xFFFFFFFF  }
0x274: {  	s0 =	simm.s32 $0xE419  }
0x275: {  	v0 =	vld.msk [tilespmem:s0+$0x0], $0x1;
	_ =	sdelay $0x4  }
0x276: {  	(v2sf) =	vpush v0, $0x0;
	_ =	sdelay $0xd  }
0x277: {  	s31 =	sadd.s32 $0xFFFFFFFE, s6  }
0x278: {  	s6 =	simm.s32 $0x0;
	s0 =	sadd.s32 $0xFFFFFFFF, s31;
	s2 =	spop (v2sf)  }
0x279: {  	s3 =	simm.s32 $0xE538;
	p1 =	sne.s32 s0, $0x0;
	p2 =	sgt.u32 s2, $0x4E170  }
.Ltmp34:
0x27a: {  	s4 =	simm.s32 $0xE638;
	s5 =	sand.u32 @!p2 $0x7FFF8, s2;
	(pc) =	sbr.rel @!p1 .LBB2_43-.Ltmp34, $4  }
0x27b: {  	s7 =	sadd.s32 @!p2 $0x80, s2;
	s2 =	sand.u32 @!p2 $0x7, s2;
	s6 =	simm.s32 @!p2 $0x400  }
0x27c: {  	s5 =	sadd.s32 @!p2 s1, s5;
	s7 =	sand.u32 @!p2 $0xFFFF8, s7;
	s6 =	sadd.s32 $0x0, s6  }
0x27d: {  	[hbm4b:s5+s2] =	stream.linear.scatter @!p2 [tilespmem:s3], [sflag:$0x5], $0x80, $0x38;
	[tilespmem:$0x1E678] =	vst v63  }
0x27e: {  	s5 =	simm.s32 $0xE41A;
	s3 =	simm.s32 @!p2 $0xE5B8;
	s7 =	sadd.s32 @!p2 s1, s7  }
.LBB2_42:
0x27f: {  	[hbm4b:s7+s2] =	stream.linear.scatter @!p2 [tilespmem:s3], [sflag:$0x5], $0x80, $0x38;
	[tilespmem:$0x1E678] =	vst v63  }
0x280: {  	s0 =	sadd.s32 $0xFFFFFFFF, s0;
	s3 =	smov.u32 s4;
	v0 =	vld.msk [tilespmem:s5+$0x0], $0x1  }
0x281: {  	p1 =	sne.s32 s0, $0x0;
	_ =	sdelay $0x3  }
0x282: {  	(v2sf) =	vpush v0, $0x0;
	_ =	sdelay $0xe  }
0x283: {  	s4 =	sadd.s32 $0x100, s4;
	s8 =	simm.s32 $0x0;
	s2 =	spop (v2sf)  }
.Ltmp35:
0x284: {  	s5 =	sadd.s32 $0x1, s5;
	p2 =	sgt.u32 s2, $0x4E170;
	(pc) =	sbr.rel @p1 .LBB2_42-.Ltmp35, $4  }
0x285: {  	s8 =	simm.s32 @!p2 $0x400;
	s7 =	sand.u32 @!p2 $0x7FFF8, s2;
	s9 =	sadd.s32 @!p2 $0x80, s2  }
0x286: {  	s2 =	sand.u32 @!p2 $0x7, s2;
	s7 =	sadd.s32 @!p2 s1, s7;
	s9 =	sand.u32 @!p2 $0xFFFF8, s9  }
0x287: {  	[hbm4b:s7+s2] =	stream.linear.scatter @!p2 [tilespmem:s3], [sflag:$0x5], $0x80, $0x38;
	[tilespmem:$0x1E678] =	vst v63  }
0x288: {  	s6 =	sadd.s32 s6, s8;
	s3 =	sadd.s32 @!p2 $0x80, s3;
	s7 =	sadd.s32 @!p2 s1, s9  }
.LBB2_43:
0x289: {  	[hbm4b:s7+s2] =	stream.linear.scatter @!p2 [tilespmem:s3], [sflag:$0x5], $0x80, $0x38;
	[tilespmem:$0x1E678] =	vst v63  }
0x28a: {  	s0 =	sshrl.u32 s6, $0x2  }
.LBB2_44:
0x28b: {  	s2 =	simm.s32 $0x5  }
0x28c: {  	_ =	swait.ge [sflag:s2], s0  }
0x28d: {  	s31 =	ssub.s32 $0x0, s0;
	[sflag:s2] =	ssyncset.done $0x0  }
0x28e: {  	[sflag:s2] =	ssyncadd.s32 s31  }
0x28f: {  	[sflag:s2] =	ssyncpa.u1 $0x1  }
.LBB2_45:
0x290: {  	s0 =	sor.u32 s14, s15  }
0x291: {  	p1 =	sne.s32 s0, $0x0  }
.Ltmp36:
0x292: {  	_ = 	snop;
	(pc) =	sbr.rel @p1 .LBB2_60-.Ltmp36, $3  }
0x293: {  	_ =	sdelay $0x1  }
0x294: {  	[bflag:$0x0] =	sbarrier.arrive $0xFFFF  }
0x295: {  	_ =	sfence  }
0x296: {  	s0 =	simm.s32 $0x7  }
0x297: {  	s2 =	simm.s32 $0x2000;
	s3 =	simm.s32 $0xE418;
	[sflag:s0] =	ssyncpa.u1 $0x0  }
0x298: {  	[tilespmem:s3], [sflag:$0x7] =	stream.linear.gather [spmem:s2], $0x20, $0x38;
	[tilespmem:$0x1E678] =	vst v63  }
0x299: {  	s30 =	simm.s32 $0xE438;
	s2 =	simm.s32 $0x0  }
0x29a: {  	[tilespmem:s30], [sflag:$0x7] =	stream.linear.gather [spmem:s2], $0x2000, $0x38;
	[tilespmem:$0x1E678] =	vst v63  }
.Ltmp37:
0x29b: {  	_ = 	snop;
	(pc) =	sbr.rel .LBB2_47-.Ltmp37, $4  }
0x29c: {  	_ =	swait.ge [sflag:s0], $0x2020  }
0x29d: {  	[sflag:s0] =	ssyncset.done $0x0  }
0x29e: {  	s31 =	simm.s32 $0x8;
	[sflag:s0] =	ssyncadd.s32 $0xFFFFDFE0  }
0x29f: {  	s3 =	simm.s32 $0x0;
	[sflag:s31] =	ssyncpa.u1 $0x0  }
.LBB2_53:
0x2a0: {  	p1 =	slt.u32 s0, $0x4E171  }
0x2a1: {  	s4 =	sand.u32 @p1 $0x7FFF8, s0;
	s5 =	sand.u32 @p1 $0x7, s0;
	s0 =	sadd.s32 @p1 $0x80, s0  }
0x2a2: {  	s6 =	simm.s32 @p1 $0xE308;
	s4 =	sadd.s32 @p1 s1, s4;
	s0 =	sand.u32 @p1 $0xFFFF8, s0  }
0x2a3: {  	[tilespmem:s6], [sflag:$0x8] =	stream.linear.gather @p1 [hbm4b:s4+s5], $0x80, $0x38;
	[tilespmem:$0x1E678] =	vst v63  }
0x2a4: {  	s0 =	sadd.s32 @p1 s1, s0;
	s4 =	simm.s32 @p1 $0xE388  }
0x2a5: {  	[tilespmem:s4], [sflag:$0x8] =	stream.linear.gather @p1 [hbm4b:s0+s5], $0x80, $0x38;
	[tilespmem:$0x1E678] =	vst v63  }
0x2a6: {  	s0 =	simm.s32 @p1 $0x8  }
0x2a7: {  	_ =	swait.ge @p1 [sflag:s0], $0x100  }
0x2a8: {  	[sflag:s0] =	ssyncset.done @p1 $0x0  }
0x2a9: {  	[sflag:s0] =	ssyncadd.s32 @p1 $0xFFFFFF00  }
0x2aa: {  	v1 =	vld @p1 [tilespmem:$0xE308];
	_ =	sdelay $0x2  }
0x2ab: {  	s0 =	sshll.u32 @p1 s3, $0xA  }
0x2ac: {  	s4 =	sshrl.u32 @p1 s0, $0x2  }
0x2ad: {  	[tilespmem:s4+$0xE438] =	vst.add.f32.msk @p1 $0xffff, v1  }
0x2ae: {  	v1 =	vld @p1 [tilespmem:$0xE318];
	_ =	sdelay $0x4  }
0x2af: {  	[tilespmem:s4+$0xE448] =	vst.add.f32.msk @p1 $0xffff, v1  }
0x2b0: {  	v1 =	vld @p1 [tilespmem:$0xE328];
	_ =	sdelay $0x4  }
0x2b1: {  	[tilespmem:s4+$0xE458] =	vst.add.f32.msk @p1 $0xffff, v1  }
0x2b2: {  	v1 =	vld @p1 [tilespmem:$0xE338];
	_ =	sdelay $0x4  }
0x2b3: {  	[tilespmem:s4+$0xE468] =	vst.add.f32.msk @p1 $0xffff, v1  }
0x2b4: {  	v1 =	vld @p1 [tilespmem:$0xE348];
	_ =	sdelay $0x4  }
0x2b5: {  	[tilespmem:s4+$0xE478] =	vst.add.f32.msk @p1 $0xffff, v1  }
0x2b6: {  	v1 =	vld @p1 [tilespmem:$0xE358];
	_ =	sdelay $0x4  }
0x2b7: {  	[tilespmem:s4+$0xE488] =	vst.add.f32.msk @p1 $0xffff, v1  }
0x2b8: {  	v1 =	vld @p1 [tilespmem:$0xE368];
	_ =	sdelay $0x4  }
0x2b9: {  	[tilespmem:s4+$0xE498] =	vst.add.f32.msk @p1 $0xffff, v1  }
0x2ba: {  	v1 =	vld @p1 [tilespmem:$0xE378];
	_ =	sdelay $0x4  }
0x2bb: {  	[tilespmem:s4+$0xE4A8] =	vst.add.f32.msk @p1 $0xffff, v1  }
0x2bc: {  	v1 =	vld @p1 [tilespmem:$0xE388];
	_ =	sdelay $0x4  }
0x2bd: {  	[tilespmem:s4+$0xE4B8] =	vst.add.f32.msk @p1 $0xffff, v1  }
0x2be: {  	v1 =	vld @p1 [tilespmem:$0xE398];
	_ =	sdelay $0x4  }
0x2bf: {  	[tilespmem:s4+$0xE4C8] =	vst.add.f32.msk @p1 $0xffff, v1  }
0x2c0: {  	v1 =	vld @p1 [tilespmem:$0xE3A8];
	_ =	sdelay $0x4  }
0x2c1: {  	[tilespmem:s4+$0xE4D8] =	vst.add.f32.msk @p1 $0xffff, v1  }
0x2c2: {  	v1 =	vld @p1 [tilespmem:$0xE3B8];
	_ =	sdelay $0x4  }
0x2c3: {  	[tilespmem:s4+$0xE4E8] =	vst.add.f32.msk @p1 $0xffff, v1  }
0x2c4: {  	v1 =	vld @p1 [tilespmem:$0xE3C8];
	_ =	sdelay $0x4  }
0x2c5: {  	[tilespmem:s4+$0xE4F8] =	vst.add.f32.msk @p1 $0xffff, v1  }
0x2c6: {  	v1 =	vld @p1 [tilespmem:$0xE3D8];
	_ =	sdelay $0x4  }
0x2c7: {  	[tilespmem:s4+$0xE508] =	vst.add.f32.msk @p1 $0xffff, v1  }
0x2c8: {  	v1 =	vld @p1 [tilespmem:$0xE3E8];
	_ =	sdelay $0x4  }
0x2c9: {  	[tilespmem:s4+$0xE518] =	vst.add.f32.msk @p1 $0xffff, v1  }
0x2ca: {  	v1 =	vld @p1 [tilespmem:$0xE3F8];
	_ =	sdelay $0x3  }
0x2cb: {  	s5 =	sshll.u32 @!p1 s3, $0xA  }
0x2cc: {  	s5 =	smov.u32 @p1 s0;
	[tilespmem:s4+$0xE528] =	vst.add.f32.msk @p1 $0xffff, v1  }
0x2cd: {  	s0 =	sshrl.u32 s5, $0x2;
	[tilespmem:s2+$0xE418] =	vst.msk $0x1, v0  }
0x2ce: {  	v0 =	vld [tilespmem:s0+$0xE438];
	_ =	sdelay $0x2  }
0x2cf: {  	s31 =	sshll.u32 s2, $0xA  }
0x2d0: {  	s4 =	sshra.s32 s31, $0x2  }
0x2d1: {  	[tilespmem:s4+$0xE438] =	vst v0  }
0x2d2: {  	v0 =	vld [tilespmem:s0+$0xE448];
	_ =	sdelay $0x4  }
0x2d3: {  	[tilespmem:s4+$0xE448] =	vst v0  }
0x2d4: {  	v0 =	vld [tilespmem:s0+$0xE458];
	_ =	sdelay $0x4  }
0x2d5: {  	[tilespmem:s4+$0xE458] =	vst v0  }
0x2d6: {  	v0 =	vld [tilespmem:s0+$0xE468];
	_ =	sdelay $0x4  }
0x2d7: {  	[tilespmem:s4+$0xE468] =	vst v0  }
0x2d8: {  	v0 =	vld [tilespmem:s0+$0xE478];
	_ =	sdelay $0x4  }
0x2d9: {  	[tilespmem:s4+$0xE478] =	vst v0  }
0x2da: {  	v0 =	vld [tilespmem:s0+$0xE488];
	_ =	sdelay $0x4  }
0x2db: {  	[tilespmem:s4+$0xE488] =	vst v0  }
0x2dc: {  	v0 =	vld [tilespmem:s0+$0xE498];
	_ =	sdelay $0x4  }
0x2dd: {  	[tilespmem:s4+$0xE498] =	vst v0  }
0x2de: {  	v0 =	vld [tilespmem:s0+$0xE4A8];
	_ =	sdelay $0x4  }
0x2df: {  	[tilespmem:s4+$0xE4A8] =	vst v0  }
0x2e0: {  	v0 =	vld [tilespmem:s0+$0xE4B8];
	_ =	sdelay $0x4  }
0x2e1: {  	[tilespmem:s4+$0xE4B8] =	vst v0  }
0x2e2: {  	v0 =	vld [tilespmem:s0+$0xE4C8];
	_ =	sdelay $0x4  }
0x2e3: {  	[tilespmem:s4+$0xE4C8] =	vst v0  }
0x2e4: {  	v0 =	vld [tilespmem:s0+$0xE4D8];
	_ =	sdelay $0x4  }
0x2e5: {  	[tilespmem:s4+$0xE4D8] =	vst v0  }
0x2e6: {  	v0 =	vld [tilespmem:s0+$0xE4E8];
	_ =	sdelay $0x4  }
0x2e7: {  	[tilespmem:s4+$0xE4E8] =	vst v0  }
0x2e8: {  	v0 =	vld [tilespmem:s0+$0xE4F8];
	_ =	sdelay $0x4  }
0x2e9: {  	[tilespmem:s4+$0xE4F8] =	vst v0  }
0x2ea: {  	v0 =	vld [tilespmem:s0+$0xE508];
	_ =	sdelay $0x4  }
0x2eb: {  	[tilespmem:s4+$0xE508] =	vst v0  }
0x2ec: {  	v0 =	vld [tilespmem:s0+$0xE518];
	_ =	sdelay $0x4  }
0x2ed: {  	[tilespmem:s4+$0xE518] =	vst v0  }
0x2ee: {  	v0 =	vld [tilespmem:s0+$0xE528];
	_ =	sdelay $0x4  }
0x2ef: {  	s2 =	sadd.s32 $0x1, s2;
	[tilespmem:s4+$0xE528] =	vst v0  }
.LBB2_54:
0x2f0: {  	s3 =	sadd.s32 $0x1, s3  }
0x2f1: {  	p1 =	sne.s32 s3, $0x20  }
.Ltmp38:
0x2f2: {  	_ = 	snop;
	(pc) =	sbr.rel @!p1 .LBB2_55-.Ltmp38, $1  }
0x2f3: {  	_ =	sdelay $0x3  }
.LBB2_47:
0x2f4: {  	v0 =	vld.msk [tilespmem:s3+$0xE418], $0x1;
	_ =	sdelay $0x4  }
0x2f5: {  	(v2sf) =	vpush v0, $0x0;
	_ =	sdelay $0xe  }
0x2f6: {  	s0 =	spop (v2sf)  }
0x2f7: {  	p1 =	seq.s32 s0, $0xFFFFFFFF  }
.Ltmp39:
0x2f8: {  	_ = 	snop;
	(pc) =	sbr.rel @p1 .LBB2_54-.Ltmp39, $1  }
0x2f9: {  	_ =	sdelay $0x3  }
0x2fa: {  	p1 =	slt.s32 s2, $0x1  }
.Ltmp40:
0x2fb: {  	_ = 	snop;
	(pc) =	sbr.rel @p1 .LBB2_53-.Ltmp40, $1  }
0x2fc: {  	_ =	sdelay $0x3  }
0x2fd: {  	s4 =	simm.s32 $0xE418;
	p1 =	por $0x0, $0x0  }
0x2fe: {  	v1 =	vld.msk @!p1 [tilespmem:s4+$0x0], $0x1;
	_ =	sdelay $0x4  }
0x2ff: {  	(v2sf) =	vpush @!p1 v1, $0x0;
	_ =	sdelay $0xd  }
0x300: {  	p3 =	sne.s32 s2, $0x1  }
.Ltmp41:
0x301: {  	s5 =	spop @!p1 (v2sf);
	(pc) =	sbr.rel @!p3 .LBB2_51-.Ltmp41, $4  }
0x302: {  	p2 =	seq.s32 @!p1 s0, s5  }
0x303: {  	s5 =	simm.s32 $0x0;
	p2 =	por !p2, p1  }
0x304: {  	s7 =	simm.s32 $0xFFFFFFFF;
	s5 =	simm.s32 @p2 $0xFFFFFFFF  }
0x305: {  	s6 =	simm.s32 $0x1;
	s5 =	smov.u32 @p1 s7  }
.LBB2_50:
0x306: {  	s7 =	smov.u32 s5;
	p1 =	sne.s32 s5, $0xFFFFFFFF  }
0x307: {  	s4 =	sadd.s32 $0x1, s4;
	s5 =	smov.u32 s6;
	s6 =	sadd.s32 $0x1, s6  }
0x308: {  	p2 =	sne.s32 s2, s6;
	v1 =	vld.msk @!p1 [tilespmem:s4+$0x0], $0x1;
	_ =	sdelay $0x4  }
0x309: {  	(v2sf) =	vpush @!p1 v1, $0x0;
	_ =	sdelay $0xe  }
.Ltmp42:
0x30a: {  	s8 =	spop @!p1 (v2sf);
	(pc) =	sbr.rel @p2 .LBB2_50-.Ltmp42, $4  }
0x30b: {  	p3 =	seq.s32 @!p1 s0, s8  }
0x30c: {  	p3 =	por !p3, p1  }
0x30d: {  	s5 =	simm.s32 @p3 $0xFFFFFFFF  }
0x30e: {  	s5 =	smov.u32 @p1 s7  }
.LBB2_51:
0x30f: {  	p1 =	seq.s32 s5, $0xFFFFFFFF  }
.Ltmp43:
0x310: {  	_ = 	snop;
	(pc) =	sbr.rel @p1 .LBB2_53-.Ltmp43, $1  }
0x311: {  	_ =	sdelay $0x3  }
0x312: {  	s0 =	sshll.u32 s3, $0x8  }
0x313: {  	s0 =	sand.u32 $0x3FFFFF00, s0  }
0x314: {  	v0 =	vld [tilespmem:s0+$0xE438];
	_ =	sdelay $0x2  }
0x315: {  	s4 =	sshll.u32 s5, $0xA  }
0x316: {  	s4 =	sshra.s32 s4, $0x2  }
0x317: {  	[tilespmem:s4+$0xE438] =	vst.add.f32.msk $0xffff, v0  }
0x318: {  	v0 =	vld [tilespmem:s0+$0xE448];
	_ =	sdelay $0x4  }
0x319: {  	[tilespmem:s4+$0xE448] =	vst.add.f32.msk $0xffff, v0  }
0x31a: {  	v0 =	vld [tilespmem:s0+$0xE458];
	_ =	sdelay $0x4  }
0x31b: {  	[tilespmem:s4+$0xE458] =	vst.add.f32.msk $0xffff, v0  }
0x31c: {  	v0 =	vld [tilespmem:s0+$0xE468];
	_ =	sdelay $0x4  }
0x31d: {  	[tilespmem:s4+$0xE468] =	vst.add.f32.msk $0xffff, v0  }
0x31e: {  	v0 =	vld [tilespmem:s0+$0xE478];
	_ =	sdelay $0x4  }
0x31f: {  	[tilespmem:s4+$0xE478] =	vst.add.f32.msk $0xffff, v0  }
0x320: {  	v0 =	vld [tilespmem:s0+$0xE488];
	_ =	sdelay $0x4  }
0x321: {  	[tilespmem:s4+$0xE488] =	vst.add.f32.msk $0xffff, v0  }
0x322: {  	v0 =	vld [tilespmem:s0+$0xE498];
	_ =	sdelay $0x4  }
0x323: {  	[tilespmem:s4+$0xE498] =	vst.add.f32.msk $0xffff, v0  }
0x324: {  	v0 =	vld [tilespmem:s0+$0xE4A8];
	_ =	sdelay $0x4  }
0x325: {  	[tilespmem:s4+$0xE4A8] =	vst.add.f32.msk $0xffff, v0  }
0x326: {  	v0 =	vld [tilespmem:s0+$0xE4B8];
	_ =	sdelay $0x4  }
0x327: {  	[tilespmem:s4+$0xE4B8] =	vst.add.f32.msk $0xffff, v0  }
0x328: {  	v0 =	vld [tilespmem:s0+$0xE4C8];
	_ =	sdelay $0x4  }
0x329: {  	[tilespmem:s4+$0xE4C8] =	vst.add.f32.msk $0xffff, v0  }
0x32a: {  	v0 =	vld [tilespmem:s0+$0xE4D8];
	_ =	sdelay $0x4  }
0x32b: {  	[tilespmem:s4+$0xE4D8] =	vst.add.f32.msk $0xffff, v0  }
0x32c: {  	v0 =	vld [tilespmem:s0+$0xE4E8];
	_ =	sdelay $0x4  }
0x32d: {  	[tilespmem:s4+$0xE4E8] =	vst.add.f32.msk $0xffff, v0  }
0x32e: {  	v0 =	vld [tilespmem:s0+$0xE4F8];
	_ =	sdelay $0x4  }
0x32f: {  	[tilespmem:s4+$0xE4F8] =	vst.add.f32.msk $0xffff, v0  }
0x330: {  	v0 =	vld [tilespmem:s0+$0xE508];
	_ =	sdelay $0x4  }
0x331: {  	[tilespmem:s4+$0xE508] =	vst.add.f32.msk $0xffff, v0  }
0x332: {  	v0 =	vld [tilespmem:s0+$0xE518];
	_ =	sdelay $0x4  }
0x333: {  	[tilespmem:s4+$0xE518] =	vst.add.f32.msk $0xffff, v0  }
0x334: {  	v0 =	vld [tilespmem:s0+$0xE528]  }
.Ltmp44:
0x335: {  	_ = 	snop;
	(pc) =	sbr.rel .LBB2_54-.Ltmp44, $2  }
0x336: {  	_ =	sdelay $0x2  }
0x337: {  	[tilespmem:s4+$0xE528] =	vst.add.f32.msk $0xffff, v0  }
.LBB2_55:
0x338: {  	p1 =	slt.s32 s2, $0x1  }
.Ltmp45:
0x339: {  	_ = 	snop;
	(pc) =	sbr.rel @p1 .LBB2_59-.Ltmp45, $3  }
0x33a: {  	_ =	sdelay $0x1  }
0x33b: {  	s0 =	simm.s32 $0x8  }
0x33c: {  	s4 =	simm.s32 $0x0;
	[sflag:s0] =	ssyncpa.u1 $0x1  }
0x33d: {  	s0 =	simm.s32 $0xE418  }
0x33e: {  	v0 =	vld.msk [tilespmem:s0+$0x0], $0x1;
	_ =	sdelay $0x4  }
0x33f: {  	(v2sf) =	vpush v0, $0x0;
	_ =	sdelay $0xe  }
0x340: {  	s0 =	sadd.s32 $0xFFFFFFFF, s2;
	s3 =	spop (v2sf)  }
0x341: {  	s6 =	simm.s32 $0xE438;
	p1 =	sne.s32 s0, $0x0;
	p2 =	sgt.u32 s3, $0x4E170  }
.Ltmp46:
0x342: {  	s2 =	simm.s32 $0xE538;
	s5 =	sand.u32 @!p2 $0x7FFF8, s3;
	(pc) =	sbr.rel @!p1 .LBB2_58-.Ltmp46, $4  }
0x343: {  	s7 =	sadd.s32 @!p2 $0x80, s3;
	s4 =	simm.s32 @!p2 $0x400;
	s8 =	sadd.s32 @!p2 s1, s5  }
0x344: {  	s5 =	sand.u32 @!p2 $0x7, s3;
	s3 =	simm.s32 $0xE419;
	s7 =	sand.u32 @!p2 $0xFFFF8, s7  }
0x345: {  	[hbm4b:s8+s5] =	stream.linear.scatter @!p2 [tilespmem:s6], [sflag:$0x7], $0x80, $0x38;
	[tilespmem:$0x1E678] =	vst v63  }
0x346: {  	s4 =	sadd.s32 $0x0, s4;
	s6 =	simm.s32 @!p2 $0xE4B8;
	s7 =	sadd.s32 @!p2 s1, s7  }
.LBB2_57:
0x347: {  	[hbm4b:s7+s5] =	stream.linear.scatter @!p2 [tilespmem:s6], [sflag:$0x7], $0x80, $0x38;
	[tilespmem:$0x1E678] =	vst v63  }
0x348: {  	s0 =	sadd.s32 $0xFFFFFFFF, s0;
	s6 =	smov.u32 s2;
	v0 =	vld.msk [tilespmem:s3+$0x0], $0x1  }
0x349: {  	p1 =	sne.s32 s0, $0x0;
	_ =	sdelay $0x3  }
0x34a: {  	(v2sf) =	vpush v0, $0x0;
	_ =	sdelay $0xe  }
0x34b: {  	s2 =	sadd.s32 $0x100, s2;
	s8 =	simm.s32 $0x0;
	s5 =	spop (v2sf)  }
.Ltmp47:
0x34c: {  	s3 =	sadd.s32 $0x1, s3;
	p2 =	sgt.u32 s5, $0x4E170;
	(pc) =	sbr.rel @p1 .LBB2_57-.Ltmp47, $4  }
0x34d: {  	s8 =	simm.s32 @!p2 $0x400;
	s7 =	sand.u32 @!p2 $0x7FFF8, s5;
	s9 =	sadd.s32 @!p2 $0x80, s5  }
0x34e: {  	s5 =	sand.u32 @!p2 $0x7, s5;
	s7 =	sadd.s32 @!p2 s1, s7;
	s9 =	sand.u32 @!p2 $0xFFFF8, s9  }
0x34f: {  	[hbm4b:s7+s5] =	stream.linear.scatter @!p2 [tilespmem:s6], [sflag:$0x7], $0x80, $0x38;
	[tilespmem:$0x1E678] =	vst v63  }
0x350: {  	s4 =	sadd.s32 s4, s8;
	s6 =	sadd.s32 @!p2 $0x80, s6;
	s7 =	sadd.s32 @!p2 s1, s9  }
.LBB2_58:
0x351: {  	[hbm4b:s7+s5] =	stream.linear.scatter @!p2 [tilespmem:s6], [sflag:$0x7], $0x80, $0x38;
	[tilespmem:$0x1E678] =	vst v63  }
0x352: {  	s4 =	sshrl.u32 s4, $0x2  }
.LBB2_59:
0x353: {  	s0 =	simm.s32 $0x7  }
0x354: {  	_ =	swait.ge [sflag:s0], s4  }
0x355: {  	s1 =	ssub.s32 $0x0, s4;
	[sflag:s0] =	ssyncset.done $0x0  }
0x356: {  	[sflag:s0] =	ssyncadd.s32 s1  }
0x357: {  	[sflag:s0] =	ssyncpa.u1 $0x1  }
.LBB2_60:
0x358: {  	_ =	sfence;
	s0 =	simm.s32 $0x1  }
0x359: {  	[sflag:s0] =	ssyncpa.u1 $0x1  }
0x35a: {  	_ =	strace $0x9000004D  }
0x35b: {  	[bflag:$0x2] =	sbarrier.arrive $0xFFFF  }
0x35c: {  	s0 =	rddreg [dreg:$0x4]  }
0x35d: {  	s0 =	sadd.s32 @!p0 $0x100000, s0  }
0x35e: {  	[sflag:s0] =	ssyncadd.tile.s32 @!p0 $0x1;
	_ =	shalt  }
.Lfunc_end2:
_tile_overlayer_lowered:
.L_overlay_start_2:
0x35f: {  	(tag) =	ssettag $0x2  }
0x360: {  	s0 =	rddreg [dreg:$0x0];
	s2 =	stileid.u32  }
0x361: {  	s1 =	rddreg [dreg:$0x1];
	p0 =	sne.s32 s2, $0x0  }
0x362: {  	s3 =	rddreg [dreg:$0x2];
	[bflag:$0x3] =	sbarrier.arrive $0xFFFF;
	s2 =	simm.s32 @!p0 $0x1C01  }
0x363: {  	[timem:s3], [sflag:s2] =	dma.local @!p0 [hbm:s0], s1  }
0x364: {  	s0 =	simm.s32 @!p0 $0x1  }
0x365: {  	_ =	swait.ge @!p0 [sflag:s0], s1  }
0x366: {  	s1 =	ssub.s32 @!p0 $0x0, s1;
	[sflag:s0] =	ssyncset.done @!p0 $0x0  }
0x367: {  	[sflag:s0] =	ssyncadd.s32 @!p0 s1  }
0x368: {  	[bflag:$0x3] =	sbarrier.arrive $0xFFFF  }
0x369: {  	_ =	shalt  }

</sc_bundles>
